<compile_context>
chip_gen: v7x
topology: tpu7x:2x2x1
jax: 0.10.2.dev20260603
libtpu: 0.0.44.dev20260713+nightly
codegen_flags: <defaults>
</compile_context>

<pallas_src>
import functools

import jax
import jax.numpy as jnp
from jax import lax
from jax.experimental import pallas as pl
from jax.experimental.pallas import tpu as pltpu
from jax.experimental.pallas import tpu_sc as plsc

NC = 2
NS = 16
NW = NC * NS

CHA = 1600
CHC = 128


def _sc_gather(xflat, src, n2, e_real, e_pad):
    ept = e_pad // NW
    nch = ept // CHA
    mesh = plsc.VectorSubcoreMesh(core_axis_name="c", subcore_axis_name="s")

    @functools.partial(
        pl.kernel,
        mesh=mesh,
        out_type=[
            jax.ShapeDtypeStruct((e_pad,), jnp.float32),
            jax.ShapeDtypeStruct((e_pad,), jnp.float32),
        ],
        scratch_types=[
            pltpu.VMEM((n2,), jnp.float32),
            pltpu.VMEM((CHA,), jnp.int32),
            pltpu.VMEM((CHA,), jnp.float32),
            pltpu.VMEM((CHA,), jnp.float32),
        ],
        compiler_params=pltpu.CompilerParams(
            needs_layout_passes=False, use_tc_tiling_on_sc=False),
    )
    def k(xflat_h, src_h, xg0_h, xg1_h, tbl, idx_v, o0, o1):
        wid = lax.axis_index("c") * NS + lax.axis_index("s")
        pltpu.sync_copy(xflat_h, tbl)
        t0 = wid * ept

        def chunk(c, carry):
            base = t0 + c * CHA

            @pl.when(base < e_real)
            def _go():
                pltpu.sync_copy(src_h.at[pl.ds(base, CHA)], idx_v)

                def grp(g, carry2):
                    iv = idx_v[pl.ds(g * 16, 16)]
                    i2 = iv + iv
                    o0[pl.ds(g * 16, 16)] = plsc.load_gather(tbl, [i2])
                    o1[pl.ds(g * 16, 16)] = plsc.load_gather(tbl, [i2 + 1])
                    return carry2

                lax.fori_loop(0, CHA // 16, grp, 0)
                pltpu.sync_copy(o0, xg0_h.at[pl.ds(base, CHA)])
                pltpu.sync_copy(o1, xg1_h.at[pl.ds(base, CHA)])

            return carry

        lax.fori_loop(0, nch, chunk, 0)

    return k(xflat, src)


def _sc_scatter(msg, srcp, z32, z1, o1c, n_pad, e_real, e_pad):
    ept = e_pad // NW
    nch = ept // CHC
    rpt = n_pad // NS
    nzb = rpt // CHC
    rem = rpt - nzb * CHC
    mesh = plsc.VectorSubcoreMesh(core_axis_name="c", subcore_axis_name="s")

    @functools.partial(
        pl.kernel,
        mesh=mesh,
        out_type=[
            jax.ShapeDtypeStruct((NC, n_pad, 32), jnp.float32),
            jax.ShapeDtypeStruct((NC, n_pad), jnp.float32),
        ],
        scratch_types=[
            pltpu.VMEM_SHARED((n_pad, 32), jnp.float32),
            pltpu.VMEM_SHARED((n_pad,), jnp.float32),
            pltpu.VMEM((CHC,), jnp.int32),
            pltpu.VMEM((CHC,), jnp.int32),
            pltpu.VMEM((CHC, 32), jnp.float32),
            pltpu.VMEM((CHC, 32), jnp.float32),
            pltpu.VMEM((CHC, 32), jnp.float32),
            pltpu.VMEM((CHC,), jnp.float32),
            pltpu.VMEM((CHC,), jnp.float32),
            pltpu.SemaphoreType.DMA,
            pltpu.SemaphoreType.DMA,
        ],
        compiler_params=pltpu.CompilerParams(
            needs_layout_passes=False, use_tc_tiling_on_sc=False),
    )
    def k(msg_h, src_h, z32_h, z1_h, o1_h, ps_h, pc_h,
          acc, cnt, idx_0, idx_1, rows_0, rows_1, zb32, zb1, ones_v,
          sem_0, sem_1):
        core = lax.axis_index("c")
        sub = lax.axis_index("s")
        pltpu.sync_copy(z32_h, zb32)
        pltpu.sync_copy(z1_h, zb1)
        pltpu.sync_copy(o1_h, ones_v)

        lo = sub * rpt

        def zero(i, carry):
            pltpu.sync_copy(zb32, acc.at[pl.ds(lo + i * CHC, CHC)])
            pltpu.sync_copy(zb1, cnt.at[pl.ds(lo + i * CHC, CHC)])
            return carry

        lax.fori_loop(0, nzb, zero, 0)
        if rem:
            pltpu.sync_copy(zb32.at[pl.ds(0, rem)],
                            acc.at[pl.ds(lo + nzb * CHC, rem)])
            pltpu.sync_copy(zb1.at[pl.ds(0, rem)],
                            cnt.at[pl.ds(lo + nzb * CHC, rem)])
        plsc.subcore_barrier()

        t0 = (core * NS + sub) * ept
        nreal = lax.max(0, lax.min(nch, (e_real - t0) // CHC))
        bufs = ((idx_0, rows_0, sem_0), (idx_1, rows_1, sem_1))

        def start(c, b):
            idx_v, rows_v, sem = bufs[b]
            pltpu.async_copy(src_h.at[pl.ds(t0 + c * CHC, CHC)], idx_v, sem)
            pltpu.async_copy(msg_h.at[pl.ds(t0 + c * CHC, CHC)], rows_v, sem)

        @pl.when(nreal > 0)
        def _p0():
            start(0, 0)

        @pl.when(nreal > 1)
        def _p1():
            start(1, 1)

        def chunk2(cc, carry):
            for b in (0, 1):
                c = cc * 2 + b
                idx_v, rows_v, sem = bufs[b]

                @pl.when(c < nreal)
                def _go():
                    pltpu.make_async_copy(
                        src_h.at[pl.ds(t0 + c * CHC, CHC)], idx_v, sem).wait()
                    pltpu.make_async_copy(
                        msg_h.at[pl.ds(t0 + c * CHC, CHC)], rows_v, sem).wait()
                    pltpu.sync_copy(rows_v, acc.at[idx_v], add=True)
                    pltpu.sync_copy(ones_v, cnt.at[idx_v], add=True)

                    @pl.when(c + 2 < nreal)
                    def _pre():
                        start(c + 2, b)

            return carry

        lax.fori_loop(0, nch // 2, chunk2, 0)
        plsc.subcore_barrier()

        pltpu.sync_copy(acc.at[pl.ds(lo, rpt)], ps_h.at[core, pl.ds(lo, rpt)])
        pltpu.sync_copy(cnt.at[pl.ds(lo, rpt)], pc_h.at[core, pl.ds(lo, rpt)])

    return k(msg, srcp, z32, z1, o1c)


def _tc_edge_mlp(xg0, xg1, ea, w1t, b1t, w2t, b2t, e_real, e_pad):
    be = 4096
    grid = (e_real + be - 1) // be

    def body(x0_r, x1_r, ea_r, w1_r, b1_r, w2_r, b2_r, out_r):
        pre_t = (w1_r[:, 0:1] * x0_r[...].reshape(1, be)
                 + w1_r[:, 1:2] * x1_r[...].reshape(1, be)
                 + w1_r[:, 2:3] * ea_r[...].reshape(1, be)
                 + b1_r[...])
        h_t = jnp.maximum(pre_t, 0.0)
        msg_t = (jnp.dot(w2_r[...], h_t, preferred_element_type=jnp.float32)
                 + b2_r[...])
        out_r[...] = msg_t.T

    lane = lambda i: (i,)
    rep2 = lambda i: (0, 0)
    return pl.pallas_call(
        body,
        grid=(grid,),
        in_specs=[
            pl.BlockSpec((be,), lane),
            pl.BlockSpec((be,), lane),
            pl.BlockSpec((be,), lane),
            pl.BlockSpec((128, 3), rep2),
            pl.BlockSpec((128, 1), rep2),
            pl.BlockSpec((32, 128), rep2),
            pl.BlockSpec((32, 1), rep2),
        ],
        out_specs=pl.BlockSpec((be, 32), lambda i: (i, 0)),
        out_shape=jax.ShapeDtypeStruct((e_pad, 32), jnp.float32),
    )(xg0, xg1, ea, w1t, b1t, w2t, b2t)


def _tc_node_mlp(x, ps, pc, w1x, w1a, b1, w2, b2, n):
    bn = 2000

    def body(x_r, ps_r, pc_r, w1x_r, w1a_r, b1_r, w2_r, b2_r, out_r):
        s = ps_r[0] + ps_r[1]
        c = pc_r[0] + pc_r[1]
        agg = s / jnp.maximum(c, 1.0)
        hp = jax.lax.Precision.DEFAULT
        pre = (jnp.dot(x_r[...], w1x_r[...], preferred_element_type=jnp.float32,
                       precision=hp)
               + jnp.dot(agg, w1a_r[...], preferred_element_type=jnp.float32,
                         precision=hp)
               + b1_r[...])
        h = jnp.maximum(pre, 0.0)
        out_r[...] = (jnp.dot(h, w2_r[...], preferred_element_type=jnp.float32,
                              precision=hp)
                      + b2_r[...])

    rep2 = lambda i: (0, 0)
    return pl.pallas_call(
        body,
        grid=(n // bn,),
        in_specs=[
            pl.BlockSpec((bn, 2), lambda i: (i, 0)),
            pl.BlockSpec((NC, bn, 32), lambda i: (0, i, 0)),
            pl.BlockSpec((NC, bn, 1), lambda i: (0, i, 0)),
            pl.BlockSpec((2, 128), rep2),
            pl.BlockSpec((32, 128), rep2),
            pl.BlockSpec((1, 128), rep2),
            pl.BlockSpec((128, 2), rep2),
            pl.BlockSpec((1, 2), rep2),
        ],
        out_specs=pl.BlockSpec((bn, 2), lambda i: (i, 0)),
        out_shape=jax.ShapeDtypeStruct((n, 2), jnp.float32),
    )(x, ps, pc, w1x, w1a, b1, w2, b2)


def kernel(x, edge_index, edge_attr, u, batch,
           W1m, b1m, W2m, b2m, W1n, b1n, W2n, b2n):
    n = x.shape[0]
    e = edge_index.shape[1]
    assert e % CHC == 0 and n % NS == 0
    src = edge_index[1]

    span = NW * CHA
    e_pad = ((e + span - 1) // span) * span

    xg0, xg1 = _sc_gather(x.reshape(-1), src, 2 * n, e, e_pad)
    msg = _tc_edge_mlp(
        xg0, xg1, edge_attr.reshape(-1),
        W1m.T, b1m.reshape(128, 1), W2m.T, b2m.reshape(32, 1), e, e_pad)

    z32 = jnp.zeros((CHC, 32), jnp.float32)
    z1 = jnp.zeros((CHC,), jnp.float32)
    o1c = jnp.ones((CHC,), jnp.float32)
    n_pad = ((n + NS * 8 - 1) // (NS * 8)) * NS * 8
    ps, pc = _sc_scatter(msg, src, z32, z1, o1c, n_pad, e, e_pad)
    pc = pc.reshape(NC, n_pad, 1)

    return _tc_node_mlp(x, ps, pc, W1n[:2], W1n[2:], b1n.reshape(1, 128),
                        W2n, b2n.reshape(1, 2), n)

# --- scband reference (transcript-rebuilt; emitter-appended) ---
"""Pipeline reference for scband-node-model-41283225649617 (READ-ONLY COPY).

The authoritative reference and input builder live on the scoring server;
editing this copy changes nothing except your own understanding.
"""

import jax, jax.numpy as jnp
import numpy as np

N = 50000
E = 800000
NODE_IN = 2
NODE_OUT = 2
MSG_H1 = 128
MSG_SIZE = 32
NODE_H1 = 128
EDGE_SIZE = 1

def setup_inputs(seed: int = 0):
    key = jax.random.key(seed)
    ks = jax.random.split(key, 16)
    x = jax.random.normal(ks[0], (N, NODE_IN), dtype=jnp.float32)
    edge_index = jax.random.randint(ks[1], (2, E), 0, N, dtype=jnp.int32)
    edge_attr = jax.random.normal(ks[2], (E, EDGE_SIZE), dtype=jnp.float32)
    u = jax.random.normal(ks[3], (1, 16), dtype=jnp.float32)
    batch = jnp.zeros((N,), dtype=jnp.int32)
    # msg_mlp: Linear(NODE_IN+EDGE_SIZE, MSG_H1) -> ReLU -> Linear(MSG_H1, MSG_SIZE)
    d_in_m = NODE_IN + EDGE_SIZE
    W1m = jax.random.normal(ks[4], (d_in_m, MSG_H1), dtype=jnp.float32) / np.sqrt(d_in_m)
    b1m = jnp.zeros((MSG_H1,), dtype=jnp.float32)
    W2m = jax.random.normal(ks[5], (MSG_H1, MSG_SIZE), dtype=jnp.float32) / np.sqrt(MSG_H1)
    b2m = jnp.zeros((MSG_SIZE,), dtype=jnp.float32)
    # node_mlp: Linear(NODE_IN+MSG_SIZE, NODE_H1) -> ReLU -> Linear(NODE_H1, NODE_OUT)
    d_in_n = NODE_IN + MSG_SIZE
    W1n = jax.random.normal(ks[6], (d_in_n, NODE_H1), dtype=jnp.float32) / np.sqrt(d_in_n)
    b1n = jnp.zeros((NODE_H1,), dtype=jnp.float32)
    W2n = jax.random.normal(ks[7], (NODE_H1, NODE_OUT), dtype=jnp.float32) / np.sqrt(NODE_H1)
    b2n = jnp.zeros((NODE_OUT,), dtype=jnp.float32)
    return {"x": x, "edge_index": edge_index, "edge_attr": edge_attr, "u": u, "batch": batch,
            "W1m": W1m, "b1m": b1m, "W2m": W2m, "b2m": b2m,
            "W1n": W1n, "b1n": b1n, "W2n": W2n, "b2n": b2n}

def reference(x, edge_index, edge_attr, u, batch, W1m, b1m, W2m, b2m, W1n, b1n, W2n, b2n):
    dst = edge_index[0]
    src = edge_index[1]
    # msg = cat([x[src], edge_attr]) -> msg_mlp
    msg = jnp.concatenate([jnp.take(x, src, axis=0), edge_attr], axis=1)
    h = jax.nn.relu(msg @ W1m + b1m)
    msg = h @ W2m + b2m
    # scatter_mean over src index, dim_size = N
    n = x.shape[0]
    sums = jax.ops.segment_sum(msg, src, num_segments=n)
    cnt = jax.ops.segment_sum(jnp.ones((msg.shape[0],), dtype=msg.dtype), src, num_segments=n)
    agg_msg = sums / jnp.maximum(cnt, 1.0)[:, None]
    # node_mlp(cat([x, agg_msg]))
    h2 = jax.nn.relu(jnp.concatenate([x, agg_msg], axis=1) @ W1n + b1n)
    out = h2 @ W2n + b2n
    return out

if __name__ == "__main__":
    import jax
    _d = setup_inputs()
    print(jax.jit(kernel)(*tuple(_d.values())))

</pallas_src>

<mosaic_0001>
#map = affine_map<(d0, d1) -> (0)>
module attributes {stable_mosaic.version = 14 : i64} {
  func.func @k(%arg0: i32, %arg1: i32, %arg2: memref<100000xf32, #tpu.memory_space<hbm>>, %arg3: memref<800000xi32, #tpu.memory_space<hbm>>, %arg4: memref<819200xf32, #tpu.memory_space<hbm>>, %arg5: memref<819200xf32, #tpu.memory_space<hbm>>, %arg6: memref<100000xf32, #tpu.memory_space<vmem>>, %arg7: memref<1600xi32, #tpu.memory_space<vmem>>, %arg8: memref<1600xf32, #tpu.memory_space<vmem>>, %arg9: memref<1600xf32, #tpu.memory_space<vmem>>) attributes {dimension_semantics = [#tpu.dimension_semantics<core_parallel>, #tpu.dimension_semantics<subcore_parallel>], iteration_bounds = array<i64: 2, 16>, scalar_prefetch = 0 : i64, scratch_operands = 4 : i64, tpu.core_type = #tpu.core_type<sc_vector_subcore>, window_params = [{transform_indices = #map}, {transform_indices = #map}, {transform_indices = #map}, {transform_indices = #map}]} {
    %mul3A = arith.constant 16 : i32
    %mul3A_0 = arith.muli %arg0, %mul3A : i32
    %add3A = arith.addi %mul3A_0, %arg1 : i32
    "tpu.region"() ({
      %run_scoped3A = tpu.sem_alloc : memref<!tpu.dma_semaphore, #tpu.memory_space<semaphore_mem>>
      tpu.enqueue_dma source(%arg2 : memref<100000xf32, #tpu.memory_space<hbm>>) target(%arg6 : memref<100000xf32, #tpu.memory_space<vmem>>) target_semaphore(%run_scoped3A : memref<!tpu.dma_semaphore, #tpu.memory_space<semaphore_mem>>)
      tpu.wait_dma2 semaphore(%run_scoped3A : memref<!tpu.dma_semaphore, #tpu.memory_space<semaphore_mem>>) src(%arg2 : memref<100000xf32, #tpu.memory_space<hbm>>) dst(%arg6 : memref<100000xf32, #tpu.memory_space<vmem>>)
      tpu.yield
    }) : () -> ()
    %mul3A_1 = arith.constant 25600 : i32
    %mul3A_2 = arith.muli %add3A, %mul3A_1 : i32
    %scan3A = arith.constant 0 : i32
    %scan3A_3 = arith.constant 0 : i32
    %scan3A_4 = arith.constant 16 : i32
    %scan3A_5 = arith.addi %scan3A_3, %scan3A_4 : i32
    %scan3A_6 = arith.constant 1 : i32
    scf.for %scan3A_8 = %scan3A_3 to %scan3A_5 step %scan3A_6  : i32 {
      %mul3A_9 = arith.constant 1600 : i32
      %mul3A_10 = arith.muli %scan3A_8, %mul3A_9 : i32
      %add3A_11 = arith.addi %mul3A_2, %mul3A_10 : i32
      %lt3A = arith.constant 800000 : i32
      %lt3A_12 = arith.cmpi slt, %add3A_11, %lt3A : i32
      %convert_element_type3A = arith.extui %lt3A_12 : i1 to i32
      %cond3A = arith.constant 0 : i32
      %cond3A_13 = arith.cmpi ne, %convert_element_type3A, %cond3A : i32
      scf.if %cond3A_13 {
        "tpu.region"() ({
          %run_scoped3A = tpu.sem_alloc : memref<!tpu.dma_semaphore, #tpu.memory_space<semaphore_mem>>
          %dma_start3A = tpu.memref_slice %arg3[%add3A_11] : memref<800000xi32, #tpu.memory_space<hbm>> -> memref<1600xi32, #tpu.memory_space<hbm>>
          %dma_start3A_20 = tpu.memref_slice %arg3[%add3A_11] : memref<800000xi32, #tpu.memory_space<hbm>> -> memref<1600xi32, #tpu.memory_space<hbm>>
          tpu.enqueue_dma source(%dma_start3A_20 : memref<1600xi32, #tpu.memory_space<hbm>>) target(%arg7 : memref<1600xi32, #tpu.memory_space<vmem>>) target_semaphore(%run_scoped3A : memref<!tpu.dma_semaphore, #tpu.memory_space<semaphore_mem>>)
          %dma_wait3A = tpu.memref_slice %arg3[%add3A_11] : memref<800000xi32, #tpu.memory_space<hbm>> -> memref<1600xi32, #tpu.memory_space<hbm>>
          %dma_wait3A_21 = tpu.memref_slice %arg3[%add3A_11] : memref<800000xi32, #tpu.memory_space<hbm>> -> memref<1600xi32, #tpu.memory_space<hbm>>
          tpu.wait_dma2 semaphore(%run_scoped3A : memref<!tpu.dma_semaphore, #tpu.memory_space<semaphore_mem>>) src(%dma_wait3A_21 : memref<1600xi32, #tpu.memory_space<hbm>>) dst(%arg7 : memref<1600xi32, #tpu.memory_space<vmem>>)
          tpu.yield
        }) : () -> ()
        %scan3A_14 = arith.constant 0 : i32
        %scan3A_15 = arith.constant 0 : i32
        %scan3A_16 = arith.constant 100 : i32
        %scan3A_17 = arith.addi %scan3A_15, %scan3A_16 : i32
        %scan3A_18 = arith.constant 1 : i32
        scf.for %scan3A_20 = %scan3A_15 to %scan3A_17 step %scan3A_18  : i32 {
          %mul3A_21 = arith.constant 16 : i32
          %mul3A_22 = arith.muli %scan3A_20, %mul3A_21 : i32
          %get3A = arith.index_cast %mul3A_22 : i32 to index
          %get3A_23 = tpu.vector_load %arg7[%get3A] {strides = array<i32>} : memref<1600xi32, #tpu.memory_space<vmem>>, vector<16xi32>,
          %add3A_24 = arith.addi %get3A_23, %get3A_23 : vector<16xi32>
          %gather3A = tpu.vector_load_idx %arg6[%add3A_24] : memref<100000xf32, #tpu.memory_space<vmem>>[vector<16xi32>], vector<16xf32>,
          %mul3A_25 = arith.constant 16 : i32
          %mul3A_26 = arith.muli %scan3A_20, %mul3A_25 : i32
          %swap3A = arith.index_cast %mul3A_26 : i32 to index
          %swap3A_27 = tpu.vector_load %arg8[%swap3A] {strides = array<i32>} : memref<1600xf32, #tpu.memory_space<vmem>>, vector<16xf32>,
          tpu.vector_store %arg8[%swap3A], %gather3A {strides = array<i32>} : memref<1600xf32, #tpu.memory_space<vmem>>, vector<16xf32>,
          %add3A_28 = arith.constant 1 : i32
          %add3A_29 = vector.broadcast %add3A_28 : i32 to vector<16xi32>
          %add3A_30 = arith.addi %add3A_24, %add3A_29 : vector<16xi32>
          %gather3A_31 = tpu.vector_load_idx %arg6[%add3A_30] : memref<100000xf32, #tpu.memory_space<vmem>>[vector<16xi32>], vector<16xf32>,
          %mul3A_32 = arith.constant 16 : i32
          %mul3A_33 = arith.muli %scan3A_20, %mul3A_32 : i32
          %swap3A_34 = arith.index_cast %mul3A_33 : i32 to index
          %swap3A_35 = tpu.vector_load %arg9[%swap3A_34] {strides = array<i32>} : memref<1600xf32, #tpu.memory_space<vmem>>, vector<16xf32>,
          tpu.vector_store %arg9[%swap3A_34], %gather3A_31 {strides = array<i32>} : memref<1600xf32, #tpu.memory_space<vmem>>, vector<16xf32>,
        }
        %scan3A_19 = arith.constant 100 : i32
        "tpu.region"() ({
          %run_scoped3A = tpu.sem_alloc : memref<!tpu.dma_semaphore, #tpu.memory_space<semaphore_mem>>
          %dma_start3A = tpu.memref_slice %arg4[%add3A_11] : memref<819200xf32, #tpu.memory_space<hbm>> -> memref<1600xf32, #tpu.memory_space<hbm>>
          %dma_start3A_20 = tpu.memref_slice %arg4[%add3A_11] : memref<819200xf32, #tpu.memory_space<hbm>> -> memref<1600xf32, #tpu.memory_space<hbm>>
          tpu.enqueue_dma source(%arg8 : memref<1600xf32, #tpu.memory_space<vmem>>) target(%dma_start3A_20 : memref<1600xf32, #tpu.memory_space<hbm>>) target_semaphore(%run_scoped3A : memref<!tpu.dma_semaphore, #tpu.memory_space<semaphore_mem>>)
          %dma_wait3A = tpu.memref_slice %arg4[%add3A_11] : memref<819200xf32, #tpu.memory_space<hbm>> -> memref<1600xf32, #tpu.memory_space<hbm>>
          %dma_wait3A_21 = tpu.memref_slice %arg4[%add3A_11] : memref<819200xf32, #tpu.memory_space<hbm>> -> memref<1600xf32, #tpu.memory_space<hbm>>
          tpu.wait_dma2 semaphore(%run_scoped3A : memref<!tpu.dma_semaphore, #tpu.memory_space<semaphore_mem>>) src(%arg8 : memref<1600xf32, #tpu.memory_space<vmem>>) dst(%dma_wait3A_21 : memref<1600xf32, #tpu.memory_space<hbm>>)
          tpu.yield
        }) : () -> ()
        "tpu.region"() ({
          %run_scoped3A = tpu.sem_alloc : memref<!tpu.dma_semaphore, #tpu.memory_space<semaphore_mem>>
          %dma_start3A = tpu.memref_slice %arg5[%add3A_11] : memref<819200xf32, #tpu.memory_space<hbm>> -> memref<1600xf32, #tpu.memory_space<hbm>>
          %dma_start3A_20 = tpu.memref_slice %arg5[%add3A_11] : memref<819200xf32, #tpu.memory_space<hbm>> -> memref<1600xf32, #tpu.memory_space<hbm>>
          tpu.enqueue_dma source(%arg9 : memref<1600xf32, #tpu.memory_space<vmem>>) target(%dma_start3A_20 : memref<1600xf32, #tpu.memory_space<hbm>>) target_semaphore(%run_scoped3A : memref<!tpu.dma_semaphore, #tpu.memory_space<semaphore_mem>>)
          %dma_wait3A = tpu.memref_slice %arg5[%add3A_11] : memref<819200xf32, #tpu.memory_space<hbm>> -> memref<1600xf32, #tpu.memory_space<hbm>>
          %dma_wait3A_21 = tpu.memref_slice %arg5[%add3A_11] : memref<819200xf32, #tpu.memory_space<hbm>> -> memref<1600xf32, #tpu.memory_space<hbm>>
          tpu.wait_dma2 semaphore(%run_scoped3A : memref<!tpu.dma_semaphore, #tpu.memory_space<semaphore_mem>>) src(%arg9 : memref<1600xf32, #tpu.memory_space<vmem>>) dst(%dma_wait3A_21 : memref<1600xf32, #tpu.memory_space<hbm>>)
          tpu.yield
        }) : () -> ()
      } else {
      }
    }
    %scan3A_7 = arith.constant 16 : i32
    return
  }
}

#map = affine_map<(d0, d1) -> (0, 0)>
#map1 = affine_map<(d0, d1) -> (0)>
#map2 = affine_map<(d0, d1) -> (0, 0, 0)>
module attributes {stable_mosaic.version = 14 : i64} {
  func.func @k(%arg0: i32, %arg1: i32, %arg2: memref<819200x32xf32, #tpu.memory_space<hbm>>, %arg3: memref<800000xi32, #tpu.memory_space<hbm>>, %arg4: memref<128x32xf32, #tpu.memory_space<hbm>>, %arg5: memref<128xf32, #tpu.memory_space<hbm>>, %arg6: memref<128xf32, #tpu.memory_space<hbm>>, %arg7: memref<2x50048x32xf32, #tpu.memory_space<hbm>>, %arg8: memref<2x50048xf32, #tpu.memory_space<hbm>>, %arg9: memref<50048x32xf32, #tpu.memory_space<vmem_shared>>, %arg10: memref<50048xf32, #tpu.memory_space<vmem_shared>>, %arg11: memref<128xi32, #tpu.memory_space<vmem>>, %arg12: memref<128xi32, #tpu.memory_space<vmem>>, %arg13: memref<128x32xf32, #tpu.memory_space<vmem>>, %arg14: memref<128x32xf32, #tpu.memory_space<vmem>>, %arg15: memref<128x32xf32, #tpu.memory_space<vmem>>, %arg16: memref<128xf32, #tpu.memory_space<vmem>>, %arg17: memref<128xf32, #tpu.memory_space<vmem>>, %arg18: memref<!tpu.dma_semaphore, #tpu.memory_space<semaphore_mem>>, %arg19: memref<!tpu.dma_semaphore, #tpu.memory_space<semaphore_mem>>) attributes {dimension_semantics = [#tpu.dimension_semantics<core_parallel>, #tpu.dimension_semantics<subcore_parallel>], iteration_bounds = array<i64: 2, 16>, scalar_prefetch = 0 : i64, scratch_operands = 11 : i64, tpu.core_type = #tpu.core_type<sc_vector_subcore>, window_params = [{transform_indices = #map}, {transform_indices = #map1}, {transform_indices = #map}, {transform_indices = #map1}, {transform_indices = #map1}, {transform_indices = #map2}, {transform_indices = #map}]} {
    "tpu.region"() ({
      %run_scoped3A = tpu.sem_alloc : memref<!tpu.dma_semaphore, #tpu.memory_space<semaphore_mem>>
      tpu.enqueue_dma source(%arg4 : memref<128x32xf32, #tpu.memory_space<hbm>>) target(%arg15 : memref<128x32xf32, #tpu.memory_space<vmem>>) target_semaphore(%run_scoped3A : memref<!tpu.dma_semaphore, #tpu.memory_space<semaphore_mem>>)
      tpu.wait_dma2 semaphore(%run_scoped3A : memref<!tpu.dma_semaphore, #tpu.memory_space<semaphore_mem>>) src(%arg4 : memref<128x32xf32, #tpu.memory_space<hbm>>) dst(%arg15 : memref<128x32xf32, #tpu.memory_space<vmem>>)
      tpu.yield
    }) : () -> ()
    "tpu.region"() ({
      %run_scoped3A = tpu.sem_alloc : memref<!tpu.dma_semaphore, #tpu.memory_space<semaphore_mem>>
      tpu.enqueue_dma source(%arg5 : memref<128xf32, #tpu.memory_space<hbm>>) target(%arg16 : memref<128xf32, #tpu.memory_space<vmem>>) target_semaphore(%run_scoped3A : memref<!tpu.dma_semaphore, #tpu.memory_space<semaphore_mem>>)
      tpu.wait_dma2 semaphore(%run_scoped3A : memref<!tpu.dma_semaphore, #tpu.memory_space<semaphore_mem>>) src(%arg5 : memref<128xf32, #tpu.memory_space<hbm>>) dst(%arg16 : memref<128xf32, #tpu.memory_space<vmem>>)
      tpu.yield
    }) : () -> ()
    "tpu.region"() ({
      %run_scoped3A = tpu.sem_alloc : memref<!tpu.dma_semaphore, #tpu.memory_space<semaphore_mem>>
      tpu.enqueue_dma source(%arg6 : memref<128xf32, #tpu.memory_space<hbm>>) target(%arg17 : memref<128xf32, #tpu.memory_space<vmem>>) target_semaphore(%run_scoped3A : memref<!tpu.dma_semaphore, #tpu.memory_space<semaphore_mem>>)
      tpu.wait_dma2 semaphore(%run_scoped3A : memref<!tpu.dma_semaphore, #tpu.memory_space<semaphore_mem>>) src(%arg6 : memref<128xf32, #tpu.memory_space<hbm>>) dst(%arg17 : memref<128xf32, #tpu.memory_space<vmem>>)
      tpu.yield
    }) : () -> ()
    %mul3A = arith.constant 3128 : i32
    %mul3A_0 = arith.muli %arg1, %mul3A : i32
    %scan3A = arith.constant 0 : i32
    %scan3A_1 = arith.constant 0 : i32
    %scan3A_2 = arith.constant 24 : i32
    %scan3A_3 = arith.addi %scan3A_1, %scan3A_2 : i32
    %scan3A_4 = arith.constant 1 : i32
    scf.for %scan3A_48 = %scan3A_1 to %scan3A_3 step %scan3A_4  : i32 {
      %mul3A_49 = arith.constant 128 : i32
      %mul3A_50 = arith.muli %scan3A_48, %mul3A_49 : i32
      %add3A_51 = arith.addi %mul3A_0, %mul3A_50 : i32
      "tpu.region"() ({
        %run_scoped3A = tpu.sem_alloc : memref<!tpu.dma_semaphore, #tpu.memory_space<semaphore_mem>>
        %dma_start3A = arith.constant 0 : i32
        %dma_start3A_55 = tpu.memref_slice %arg9[%add3A_51, %dma_start3A] : memref<50048x32xf32, #tpu.memory_space<vmem_shared>> -> memref<128x32xf32, #tpu.memory_space<vmem_shared>>
        %dma_start3A_56 = arith.constant 0 : i32
        %dma_start3A_57 = tpu.memref_slice %arg9[%add3A_51, %dma_start3A_56] : memref<50048x32xf32, #tpu.memory_space<vmem_shared>> -> memref<128x32xf32, #tpu.memory_space<vmem_shared>>
        tpu.enqueue_dma source(%arg15 : memref<128x32xf32, #tpu.memory_space<vmem>>) target(%dma_start3A_57 : memref<128x32xf32, #tpu.memory_space<vmem_shared>>) target_semaphore(%run_scoped3A : memref<!tpu.dma_semaphore, #tpu.memory_space<semaphore_mem>>)
        %dma_wait3A = arith.constant 0 : i32
        %dma_wait3A_58 = tpu.memref_slice %arg9[%add3A_51, %dma_wait3A] : memref<50048x32xf32, #tpu.memory_space<vmem_shared>> -> memref<128x32xf32, #tpu.memory_space<vmem_shared>>
        %dma_wait3A_59 = arith.constant 0 : i32
        %dma_wait3A_60 = tpu.memref_slice %arg9[%add3A_51, %dma_wait3A_59] : memref<50048x32xf32, #tpu.memory_space<vmem_shared>> -> memref<128x32xf32, #tpu.memory_space<vmem_shared>>
        tpu.wait_dma2 semaphore(%run_scoped3A : memref<!tpu.dma_semaphore, #tpu.memory_space<semaphore_mem>>) src(%arg15 : memref<128x32xf32, #tpu.memory_space<vmem>>) dst(%dma_wait3A_60 : memref<128x32xf32, #tpu.memory_space<vmem_shared>>)
        tpu.yield
      }) : () -> ()
      %mul3A_52 = arith.constant 128 : i32
      %mul3A_53 = arith.muli %scan3A_48, %mul3A_52 : i32
      %add3A_54 = arith.addi %mul3A_0, %mul3A_53 : i32
      "tpu.region"() ({
        %run_scoped3A = tpu.sem_alloc : memref<!tpu.dma_semaphore, #tpu.memory_space<semaphore_mem>>
        %dma_start3A = tpu.memref_slice %arg10[%add3A_54] : memref<50048xf32, #tpu.memory_space<vmem_shared>> -> memref<128xf32, #tpu.memory_space<vmem_shared>>
        %dma_start3A_55 = tpu.memref_slice %arg10[%add3A_54] : memref<50048xf32, #tpu.memory_space<vmem_shared>> -> memref<128xf32, #tpu.memory_space<vmem_shared>>
        tpu.enqueue_dma source(%arg16 : memref<128xf32, #tpu.memory_space<vmem>>) target(%dma_start3A_55 : memref<128xf32, #tpu.memory_space<vmem_shared>>) target_semaphore(%run_scoped3A : memref<!tpu.dma_semaphore, #tpu.memory_space<semaphore_mem>>)
        %dma_wait3A = tpu.memref_slice %arg10[%add3A_54] : memref<50048xf32, #tpu.memory_space<vmem_shared>> -> memref<128xf32, #tpu.memory_space<vmem_shared>>
        %dma_wait3A_56 = tpu.memref_slice %arg10[%add3A_54] : memref<50048xf32, #tpu.memory_space<vmem_shared>> -> memref<128xf32, #tpu.memory_space<vmem_shared>>
        tpu.wait_dma2 semaphore(%run_scoped3A : memref<!tpu.dma_semaphore, #tpu.memory_space<semaphore_mem>>) src(%arg16 : memref<128xf32, #tpu.memory_space<vmem>>) dst(%dma_wait3A_56 : memref<128xf32, #tpu.memory_space<vmem_shared>>)
        tpu.yield
      }) : () -> ()
    }
    %scan3A_5 = arith.constant 24 : i32
    %add3A = arith.constant 3072 : i32
    %add3A_6 = arith.addi %mul3A_0, %add3A : i32
    "tpu.region"() ({
      %run_scoped3A = tpu.sem_alloc : memref<!tpu.dma_semaphore, #tpu.memory_space<semaphore_mem>>
      %dma_start3A = arith.constant 0 : i32
      %dma_start3A_48 = arith.constant 0 : i32
      %dma_start3A_49 = tpu.memref_slice %arg15[%dma_start3A, %dma_start3A_48] : memref<128x32xf32, #tpu.memory_space<vmem>> -> memref<56x32xf32, #tpu.memory_space<vmem>>
      %dma_start3A_50 = arith.constant 0 : i32
      %dma_start3A_51 = tpu.memref_slice %arg9[%add3A_6, %dma_start3A_50] : memref<50048x32xf32, #tpu.memory_space<vmem_shared>> -> memref<56x32xf32, #tpu.memory_space<vmem_shared>>
      %dma_start3A_52 = arith.constant 0 : i32
      %dma_start3A_53 = tpu.memref_slice %arg9[%add3A_6, %dma_start3A_52] : memref<50048x32xf32, #tpu.memory_space<vmem_shared>> -> memref<56x32xf32, #tpu.memory_space<vmem_shared>>
      %dma_start3A_54 = arith.constant 0 : i32
      %dma_start3A_55 = arith.constant 0 : i32
      %dma_start3A_56 = tpu.memref_slice %arg15[%dma_start3A_54, %dma_start3A_55] : memref<128x32xf32, #tpu.memory_space<vmem>> -> memref<56x32xf32, #tpu.memory_space<vmem>>
      tpu.enqueue_dma source(%dma_start3A_56 : memref<56x32xf32, #tpu.memory_space<vmem>>) target(%dma_start3A_53 : memref<56x32xf32, #tpu.memory_space<vmem_shared>>) target_semaphore(%run_scoped3A : memref<!tpu.dma_semaphore, #tpu.memory_space<semaphore_mem>>)
      %dma_wait3A = arith.constant 0 : i32
      %dma_wait3A_57 = arith.constant 0 : i32
      %dma_wait3A_58 = tpu.memref_slice %arg15[%dma_wait3A, %dma_wait3A_57] : memref<128x32xf32, #tpu.memory_space<vmem>> -> memref<56x32xf32, #tpu.memory_space<vmem>>
      %dma_wait3A_59 = arith.constant 0 : i32
      %dma_wait3A_60 = tpu.memref_slice %arg9[%add3A_6, %dma_wait3A_59] : memref<50048x32xf32, #tpu.memory_space<vmem_shared>> -> memref<56x32xf32, #tpu.memory_space<vmem_shared>>
      %dma_wait3A_61 = arith.constant 0 : i32
      %dma_wait3A_62 = tpu.memref_slice %arg9[%add3A_6, %dma_wait3A_61] : memref<50048x32xf32, #tpu.memory_space<vmem_shared>> -> memref<56x32xf32, #tpu.memory_space<vmem_shared>>
      %dma_wait3A_63 = arith.constant 0 : i32
      %dma_wait3A_64 = arith.constant 0 : i32
      %dma_wait3A_65 = tpu.memref_slice %arg15[%dma_wait3A_63, %dma_wait3A_64] : memref<128x32xf32, #tpu.memory_space<vmem>> -> memref<56x32xf32, #tpu.memory_space<vmem>>
      tpu.wait_dma2 semaphore(%run_scoped3A : memref<!tpu.dma_semaphore, #tpu.memory_space<semaphore_mem>>) src(%dma_wait3A_65 : memref<56x32xf32, #tpu.memory_space<vmem>>) dst(%dma_wait3A_62 : memref<56x32xf32, #tpu.memory_space<vmem_shared>>)
      tpu.yield
    }) : () -> ()
    %add3A_7 = arith.constant 3072 : i32
    %add3A_8 = arith.addi %mul3A_0, %add3A_7 : i32
    "tpu.region"() ({
      %run_scoped3A = tpu.sem_alloc : memref<!tpu.dma_semaphore, #tpu.memory_space<semaphore_mem>>
      %dma_start3A = arith.constant 0 : i32
      %dma_start3A_48 = tpu.memref_slice %arg16[%dma_start3A] : memref<128xf32, #tpu.memory_space<vmem>> -> memref<56xf32, #tpu.memory_space<vmem>>
      %dma_start3A_49 = tpu.memref_slice %arg10[%add3A_8] : memref<50048xf32, #tpu.memory_space<vmem_shared>> -> memref<56xf32, #tpu.memory_space<vmem_shared>>
      %dma_start3A_50 = tpu.memref_slice %arg10[%add3A_8] : memref<50048xf32, #tpu.memory_space<vmem_shared>> -> memref<56xf32, #tpu.memory_space<vmem_shared>>
      %dma_start3A_51 = arith.constant 0 : i32
      %dma_start3A_52 = tpu.memref_slice %arg16[%dma_start3A_51] : memref<128xf32, #tpu.memory_space<vmem>> -> memref<56xf32, #tpu.memory_space<vmem>>
      tpu.enqueue_dma source(%dma_start3A_52 : memref<56xf32, #tpu.memory_space<vmem>>) target(%dma_start3A_50 : memref<56xf32, #tpu.memory_space<vmem_shared>>) target_semaphore(%run_scoped3A : memref<!tpu.dma_semaphore, #tpu.memory_space<semaphore_mem>>)
      %dma_wait3A = arith.constant 0 : i32
      %dma_wait3A_53 = tpu.memref_slice %arg16[%dma_wait3A] : memref<128xf32, #tpu.memory_space<vmem>> -> memref<56xf32, #tpu.memory_space<vmem>>
      %dma_wait3A_54 = tpu.memref_slice %arg10[%add3A_8] : memref<50048xf32, #tpu.memory_space<vmem_shared>> -> memref<56xf32, #tpu.memory_space<vmem_shared>>
      %dma_wait3A_55 = tpu.memref_slice %arg10[%add3A_8] : memref<50048xf32, #tpu.memory_space<vmem_shared>> -> memref<56xf32, #tpu.memory_space<vmem_shared>>
      %dma_wait3A_56 = arith.constant 0 : i32
      %dma_wait3A_57 = tpu.memref_slice %arg16[%dma_wait3A_56] : memref<128xf32, #tpu.memory_space<vmem>> -> memref<56xf32, #tpu.memory_space<vmem>>
      tpu.wait_dma2 semaphore(%run_scoped3A : memref<!tpu.dma_semaphore, #tpu.memory_space<semaphore_mem>>) src(%dma_wait3A_57 : memref<56xf32, #tpu.memory_space<vmem>>) dst(%dma_wait3A_55 : memref<56xf32, #tpu.memory_space<vmem_shared>>)
      tpu.yield
    }) : () -> ()
    %barrier3A = arith.constant 0 : index
    tpu.barrier barrier_id(%barrier3A)
    %mul3A_9 = arith.constant 16 : i32
    %mul3A_10 = arith.muli %arg0, %mul3A_9 : i32
    %add3A_11 = arith.addi %mul3A_10, %arg1 : i32
    %mul3A_12 = arith.constant 25600 : i32
    %mul3A_13 = arith.muli %add3A_11, %mul3A_12 : i32
    %sub3A = arith.constant 800000 : i32
    %sub3A_14 = arith.subi %sub3A, %mul3A_13 : i32
    %jit3A = arith.constant 128 : i32
    %div3A = arith.divsi %sub3A_14, %jit3A : i32
    %sign3A = arith.constant 0 : i32
    %sign3A_15 = arith.cmpi sgt, %sub3A_14, %sign3A : i32
    %sign3A_16 = arith.extui %sign3A_15 : i1 to i32
    %sign3A_17 = arith.constant 0 : i32
    %sign3A_18 = arith.cmpi slt, %sub3A_14, %sign3A_17 : i32
    %sign3A_19 = arith.extui %sign3A_18 : i1 to i32
    %sign3A_20 = arith.subi %sign3A_16, %sign3A_19 : i32
    %sign3A_21 = arith.constant 0 : i32
    %sign3A_22 = arith.cmpi sgt, %jit3A, %sign3A_21 : i32
    %sign3A_23 = arith.extui %sign3A_22 : i1 to i32
    %sign3A_24 = arith.constant 0 : i32
    %sign3A_25 = arith.cmpi slt, %jit3A, %sign3A_24 : i32
    %sign3A_26 = arith.extui %sign3A_25 : i1 to i32
    %sign3A_27 = arith.subi %sign3A_23, %sign3A_26 : i32
    %ne3A = arith.cmpi ne, %sign3A_20, %sign3A_27 : i32
    %rem3A = arith.remsi %sub3A_14, %jit3A : i32
    %ne3A_28 = arith.constant 0 : i32
    %ne3A_29 = arith.cmpi ne, %rem3A, %ne3A_28 : i32
    %and3A = arith.andi %ne3A, %ne3A_29 : i1
    %sub3A_30 = arith.constant 1 : i32
    %sub3A_31 = arith.subi %div3A, %sub3A_30 : i32
    %select_n3A = arith.select %and3A, %sub3A_31, %div3A : i32
    %min3A = arith.constant 200 : i32
    %min3A_32 = arith.minsi %min3A, %select_n3A : i32
    %max3A = arith.constant 0 : i32
    %max3A_33 = arith.maxsi %max3A, %min3A_32 : i32
    %gt3A = arith.constant 0 : i32
    %gt3A_34 = arith.cmpi sgt, %max3A_33, %gt3A : i32
    %convert_element_type3A = arith.extui %gt3A_34 : i1 to i32
    %cond3A = arith.constant 0 : i32
    %cond3A_35 = arith.cmpi ne, %convert_element_type3A, %cond3A : i32
    scf.if %cond3A_35 {
      %add3A_48 = arith.constant 0 : i32
      %add3A_49 = arith.addi %mul3A_13, %add3A_48 : i32
      %dma_start3A = tpu.memref_slice %arg3[%add3A_49] : memref<800000xi32, #tpu.memory_space<hbm>> -> memref<128xi32, #tpu.memory_space<hbm>>
      %dma_start3A_50 = tpu.memref_slice %arg3[%add3A_49] : memref<800000xi32, #tpu.memory_space<hbm>> -> memref<128xi32, #tpu.memory_space<hbm>>
      tpu.enqueue_dma source(%dma_start3A_50 : memref<128xi32, #tpu.memory_space<hbm>>) target(%arg11 : memref<128xi32, #tpu.memory_space<vmem>>) target_semaphore(%arg18 : memref<!tpu.dma_semaphore, #tpu.memory_space<semaphore_mem>>)
      %add3A_51 = arith.constant 0 : i32
      %add3A_52 = arith.addi %mul3A_13, %add3A_51 : i32
      %dma_start3A_53 = arith.constant 0 : i32
      %dma_start3A_54 = tpu.memref_slice %arg2[%add3A_52, %dma_start3A_53] : memref<819200x32xf32, #tpu.memory_space<hbm>> -> memref<128x32xf32, #tpu.memory_space<hbm>>
      %dma_start3A_55 = arith.constant 0 : i32
      %dma_start3A_56 = tpu.memref_slice %arg2[%add3A_52, %dma_start3A_55] : memref<819200x32xf32, #tpu.memory_space<hbm>> -> memref<128x32xf32, #tpu.memory_space<hbm>>
      tpu.enqueue_dma source(%dma_start3A_56 : memref<128x32xf32, #tpu.memory_space<hbm>>) target(%arg13 : memref<128x32xf32, #tpu.memory_space<vmem>>) target_semaphore(%arg18 : memref<!tpu.dma_semaphore, #tpu.memory_space<semaphore_mem>>)
    } else {
    }
    %gt3A_36 = arith.constant 1 : i32
    %gt3A_37 = arith.cmpi sgt, %max3A_33, %gt3A_36 : i32
    %convert_element_type3A_38 = arith.extui %gt3A_37 : i1 to i32
    %cond3A_39 = arith.constant 0 : i32
    %cond3A_40 = arith.cmpi ne, %convert_element_type3A_38, %cond3A_39 : i32
    scf.if %cond3A_40 {
      %add3A_48 = arith.constant 128 : i32
      %add3A_49 = arith.addi %mul3A_13, %add3A_48 : i32
      %dma_start3A = tpu.memref_slice %arg3[%add3A_49] : memref<800000xi32, #tpu.memory_space<hbm>> -> memref<128xi32, #tpu.memory_space<hbm>>
      %dma_start3A_50 = tpu.memref_slice %arg3[%add3A_49] : memref<800000xi32, #tpu.memory_space<hbm>> -> memref<128xi32, #tpu.memory_space<hbm>>
      tpu.enqueue_dma source(%dma_start3A_50 : memref<128xi32, #tpu.memory_space<hbm>>) target(%arg12 : memref<128xi32, #tpu.memory_space<vmem>>) target_semaphore(%arg19 : memref<!tpu.dma_semaphore, #tpu.memory_space<semaphore_mem>>)
      %add3A_51 = arith.constant 128 : i32
      %add3A_52 = arith.addi %mul3A_13, %add3A_51 : i32
      %dma_start3A_53 = arith.constant 0 : i32
      %dma_start3A_54 = tpu.memref_slice %arg2[%add3A_52, %dma_start3A_53] : memref<819200x32xf32, #tpu.memory_space<hbm>> -> memref<128x32xf32, #tpu.memory_space<hbm>>
      %dma_start3A_55 = arith.constant 0 : i32
      %dma_start3A_56 = tpu.memref_slice %arg2[%add3A_52, %dma_start3A_55] : memref<819200x32xf32, #tpu.memory_space<hbm>> -> memref<128x32xf32, #tpu.memory_space<hbm>>
      tpu.enqueue_dma source(%dma_start3A_56 : memref<128x32xf32, #tpu.memory_space<hbm>>) target(%arg14 : memref<128x32xf32, #tpu.memory_space<vmem>>) target_semaphore(%arg19 : memref<!tpu.dma_semaphore, #tpu.memory_space<semaphore_mem>>)
    } else {
    }
    %scan3A_41 = arith.constant 0 : i32
    %scan3A_42 = arith.constant 0 : i32
    %scan3A_43 = arith.constant 100 : i32
    %scan3A_44 = arith.addi %scan3A_42, %scan3A_43 : i32
    %scan3A_45 = arith.constant 1 : i32
    scf.for %scan3A_48 = %scan3A_42 to %scan3A_44 step %scan3A_45  : i32 {
      %mul3A_49 = arith.constant 2 : i32
      %mul3A_50 = arith.muli %scan3A_48, %mul3A_49 : i32
      %add3A_51 = arith.constant 0 : i32
      %add3A_52 = arith.addi %mul3A_50, %add3A_51 : i32
      %lt3A = arith.cmpi slt, %add3A_52, %max3A_33 : i32
      %convert_element_type3A_53 = arith.extui %lt3A : i1 to i32
      %cond3A_54 = arith.constant 0 : i32
      %cond3A_55 = arith.cmpi ne, %convert_element_type3A_53, %cond3A_54 : i32
      scf.if %cond3A_55 {
        %mul3A_64 = arith.constant 128 : i32
        %mul3A_65 = arith.muli %add3A_52, %mul3A_64 : i32
        %add3A_66 = arith.addi %mul3A_13, %mul3A_65 : i32
        %dma_wait3A = tpu.memref_slice %arg3[%add3A_66] : memref<800000xi32, #tpu.memory_space<hbm>> -> memref<128xi32, #tpu.memory_space<hbm>>
        %dma_wait3A_67 = tpu.memref_slice %arg3[%add3A_66] : memref<800000xi32, #tpu.memory_space<hbm>> -> memref<128xi32, #tpu.memory_space<hbm>>
        tpu.wait_dma2 semaphore(%arg18 : memref<!tpu.dma_semaphore, #tpu.memory_space<semaphore_mem>>) src(%dma_wait3A_67 : memref<128xi32, #tpu.memory_space<hbm>>) dst(%arg11 : memref<128xi32, #tpu.memory_space<vmem>>)
        %mul3A_68 = arith.constant 128 : i32
        %mul3A_69 = arith.muli %add3A_52, %mul3A_68 : i32
        %add3A_70 = arith.addi %mul3A_13, %mul3A_69 : i32
        %dma_wait3A_71 = arith.constant 0 : i32
        %dma_wait3A_72 = tpu.memref_slice %arg2[%add3A_70, %dma_wait3A_71] : memref<819200x32xf32, #tpu.memory_space<hbm>> -> memref<128x32xf32, #tpu.memory_space<hbm>>
        %dma_wait3A_73 = arith.constant 0 : i32
        %dma_wait3A_74 = tpu.memref_slice %arg2[%add3A_70, %dma_wait3A_73] : memref<819200x32xf32, #tpu.memory_space<hbm>> -> memref<128x32xf32, #tpu.memory_space<hbm>>
        tpu.wait_dma2 semaphore(%arg18 : memref<!tpu.dma_semaphore, #tpu.memory_space<semaphore_mem>>) src(%dma_wait3A_74 : memref<128x32xf32, #tpu.memory_space<hbm>>) dst(%arg13 : memref<128x32xf32, #tpu.memory_space<vmem>>)
        "tpu.region"() ({
          %run_scoped3A = tpu.sem_alloc : memref<!tpu.dma_semaphore, #tpu.memory_space<semaphore_mem>>
          %dma_start3A = arith.constant 0 : i32
          %dma_start3A_81 = arith.constant 0 : i32
          %dma_start3A_82 = tpu.memref_slice %arg9[%dma_start3A, %dma_start3A_81] : memref<50048x32xf32, #tpu.memory_space<vmem_shared>> -> memref<50048x32xf32, #tpu.memory_space<vmem_shared>>
          tpu.enqueue_indirect_dma source(%arg13 : memref<128x32xf32, #tpu.memory_space<vmem>>) target(%dma_start3A_82 : memref<50048x32xf32, #tpu.memory_space<vmem_shared>>) offsets(%arg11 : memref<128xi32, #tpu.memory_space<vmem>>) semaphore(%run_scoped3A : memref<!tpu.dma_semaphore, #tpu.memory_space<semaphore_mem>>) {add = true}
          %dma_wait3A_83 = arith.constant 0 : i32
          %dma_wait3A_84 = arith.constant 0 : i32
          %dma_wait3A_85 = tpu.memref_slice %arg9[%dma_wait3A_83, %dma_wait3A_84] : memref<50048x32xf32, #tpu.memory_space<vmem_shared>> -> memref<50048x32xf32, #tpu.memory_space<vmem_shared>>
          tpu.wait_indirect_dma semaphore(%run_scoped3A : memref<!tpu.dma_semaphore, #tpu.memory_space<semaphore_mem>>) src(%arg13 : memref<128x32xf32, #tpu.memory_space<vmem>>) dst(%dma_wait3A_85 : memref<50048x32xf32, #tpu.memory_space<vmem_shared>>)
          tpu.yield
        }) : () -> ()
        "tpu.region"() ({
          %run_scoped3A = tpu.sem_alloc : memref<!tpu.dma_semaphore, #tpu.memory_space<semaphore_mem>>
          %dma_start3A = arith.constant 0 : i32
          %dma_start3A_81 = tpu.memref_slice %arg10[%dma_start3A] : memref<50048xf32, #tpu.memory_space<vmem_shared>> -> memref<50048xf32, #tpu.memory_space<vmem_shared>>
          tpu.enqueue_indirect_dma source(%arg17 : memref<128xf32, #tpu.memory_space<vmem>>) target(%dma_start3A_81 : memref<50048xf32, #tpu.memory_space<vmem_shared>>) offsets(%arg11 : memref<128xi32, #tpu.memory_space<vmem>>) semaphore(%run_scoped3A : memref<!tpu.dma_semaphore, #tpu.memory_space<semaphore_mem>>) {add = true}
          %dma_wait3A_82 = arith.constant 0 : i32
          %dma_wait3A_83 = tpu.memref_slice %arg10[%dma_wait3A_82] : memref<50048xf32, #tpu.memory_space<vmem_shared>> -> memref<50048xf32, #tpu.memory_space<vmem_shared>>
          tpu.wait_indirect_dma semaphore(%run_scoped3A : memref<!tpu.dma_semaphore, #tpu.memory_space<semaphore_mem>>) src(%arg17 : memref<128xf32, #tpu.memory_space<vmem>>) dst(%dma_wait3A_83 : memref<50048xf32, #tpu.memory_space<vmem_shared>>)
          tpu.yield
        }) : () -> ()
        %add3A_75 = arith.constant 2 : i32
        %add3A_76 = arith.addi %add3A_52, %add3A_75 : i32
        %lt3A_77 = arith.cmpi slt, %add3A_76, %max3A_33 : i32
        %convert_element_type3A_78 = arith.extui %lt3A_77 : i1 to i32
        %cond3A_79 = arith.constant 0 : i32
        %cond3A_80 = arith.cmpi ne, %convert_element_type3A_78, %cond3A_79 : i32
        scf.if %cond3A_80 {
          %add3A_81 = arith.constant 2 : i32
          %add3A_82 = arith.addi %add3A_52, %add3A_81 : i32
          %mul3A_83 = arith.constant 128 : i32
          %mul3A_84 = arith.muli %add3A_82, %mul3A_83 : i32
          %add3A_85 = arith.addi %mul3A_13, %mul3A_84 : i32
          %dma_start3A = tpu.memref_slice %arg3[%add3A_85] : memref<800000xi32, #tpu.memory_space<hbm>> -> memref<128xi32, #tpu.memory_space<hbm>>
          %dma_start3A_86 = tpu.memref_slice %arg3[%add3A_85] : memref<800000xi32, #tpu.memory_space<hbm>> -> memref<128xi32, #tpu.memory_space<hbm>>
          tpu.enqueue_dma source(%dma_start3A_86 : memref<128xi32, #tpu.memory_space<hbm>>) target(%arg11 : memref<128xi32, #tpu.memory_space<vmem>>) target_semaphore(%arg18 : memref<!tpu.dma_semaphore, #tpu.memory_space<semaphore_mem>>)
          %mul3A_87 = arith.constant 128 : i32
          %mul3A_88 = arith.muli %add3A_82, %mul3A_87 : i32
          %add3A_89 = arith.addi %mul3A_13, %mul3A_88 : i32
          %dma_start3A_90 = arith.constant 0 : i32
          %dma_start3A_91 = tpu.memref_slice %arg2[%add3A_89, %dma_start3A_90] : memref<819200x32xf32, #tpu.memory_space<hbm>> -> memref<128x32xf32, #tpu.memory_space<hbm>>
          %dma_start3A_92 = arith.constant 0 : i32
          %dma_start3A_93 = tpu.memref_slice %arg2[%add3A_89, %dma_start3A_92] : memref<819200x32xf32, #tpu.memory_space<hbm>> -> memref<128x32xf32, #tpu.memory_space<hbm>>
          tpu.enqueue_dma source(%dma_start3A_93 : memref<128x32xf32, #tpu.memory_space<hbm>>) target(%arg13 : memref<128x32xf32, #tpu.memory_space<vmem>>) target_semaphore(%arg18 : memref<!tpu.dma_semaphore, #tpu.memory_space<semaphore_mem>>)
        } else {
        }
      } else {
      }
      %mul3A_56 = arith.constant 2 : i32
      %mul3A_57 = arith.muli %scan3A_48, %mul3A_56 : i32
      %add3A_58 = arith.constant 1 : i32
      %add3A_59 = arith.addi %mul3A_57, %add3A_58 : i32
      %lt3A_60 = arith.cmpi slt, %add3A_59, %max3A_33 : i32
      %convert_element_type3A_61 = arith.extui %lt3A_60 : i1 to i32
      %cond3A_62 = arith.constant 0 : i32
      %cond3A_63 = arith.cmpi ne, %convert_element_type3A_61, %cond3A_62 : i32
      scf.if %cond3A_63 {
        %mul3A_64 = arith.constant 128 : i32
        %mul3A_65 = arith.muli %add3A_59, %mul3A_64 : i32
        %add3A_66 = arith.addi %mul3A_13, %mul3A_65 : i32
        %dma_wait3A = tpu.memref_slice %arg3[%add3A_66] : memref<800000xi32, #tpu.memory_space<hbm>> -> memref<128xi32, #tpu.memory_space<hbm>>
        %dma_wait3A_67 = tpu.memref_slice %arg3[%add3A_66] : memref<800000xi32, #tpu.memory_space<hbm>> -> memref<128xi32, #tpu.memory_space<hbm>>
        tpu.wait_dma2 semaphore(%arg19 : memref<!tpu.dma_semaphore, #tpu.memory_space<semaphore_mem>>) src(%dma_wait3A_67 : memref<128xi32, #tpu.memory_space<hbm>>) dst(%arg12 : memref<128xi32, #tpu.memory_space<vmem>>)
        %mul3A_68 = arith.constant 128 : i32
        %mul3A_69 = arith.muli %add3A_59, %mul3A_68 : i32
        %add3A_70 = arith.addi %mul3A_13, %mul3A_69 : i32
        %dma_wait3A_71 = arith.constant 0 : i32
        %dma_wait3A_72 = tpu.memref_slice %arg2[%add3A_70, %dma_wait3A_71] : memref<819200x32xf32, #tpu.memory_space<hbm>> -> memref<128x32xf32, #tpu.memory_space<hbm>>
        %dma_wait3A_73 = arith.constant 0 : i32
        %dma_wait3A_74 = tpu.memref_slice %arg2[%add3A_70, %dma_wait3A_73] : memref<819200x32xf32, #tpu.memory_space<hbm>> -> memref<128x32xf32, #tpu.memory_space<hbm>>
        tpu.wait_dma2 semaphore(%arg19 : memref<!tpu.dma_semaphore, #tpu.memory_space<semaphore_mem>>) src(%dma_wait3A_74 : memref<128x32xf32, #tpu.memory_space<hbm>>) dst(%arg14 : memref<128x32xf32, #tpu.memory_space<vmem>>)
        "tpu.region"() ({
          %run_scoped3A = tpu.sem_alloc : memref<!tpu.dma_semaphore, #tpu.memory_space<semaphore_mem>>
          %dma_start3A = arith.constant 0 : i32
          %dma_start3A_81 = arith.constant 0 : i32
          %dma_start3A_82 = tpu.memref_slice %arg9[%dma_start3A, %dma_start3A_81] : memref<50048x32xf32, #tpu.memory_space<vmem_shared>> -> memref<50048x32xf32, #tpu.memory_space<vmem_shared>>
          tpu.enqueue_indirect_dma source(%arg14 : memref<128x32xf32, #tpu.memory_space<vmem>>) target(%dma_start3A_82 : memref<50048x32xf32, #tpu.memory_space<vmem_shared>>) offsets(%arg12 : memref<128xi32, #tpu.memory_space<vmem>>) semaphore(%run_scoped3A : memref<!tpu.dma_semaphore, #tpu.memory_space<semaphore_mem>>) {add = true}
          %dma_wait3A_83 = arith.constant 0 : i32
          %dma_wait3A_84 = arith.constant 0 : i32
          %dma_wait3A_85 = tpu.memref_slice %arg9[%dma_wait3A_83, %dma_wait3A_84] : memref<50048x32xf32, #tpu.memory_space<vmem_shared>> -> memref<50048x32xf32, #tpu.memory_space<vmem_shared>>
          tpu.wait_indirect_dma semaphore(%run_scoped3A : memref<!tpu.dma_semaphore, #tpu.memory_space<semaphore_mem>>) src(%arg14 : memref<128x32xf32, #tpu.memory_space<vmem>>) dst(%dma_wait3A_85 : memref<50048x32xf32, #tpu.memory_space<vmem_shared>>)
          tpu.yield
        }) : () -> ()
        "tpu.region"() ({
          %run_scoped3A = tpu.sem_alloc : memref<!tpu.dma_semaphore, #tpu.memory_space<semaphore_mem>>
          %dma_start3A = arith.constant 0 : i32
          %dma_start3A_81 = tpu.memref_slice %arg10[%dma_start3A] : memref<50048xf32, #tpu.memory_space<vmem_shared>> -> memref<50048xf32, #tpu.memory_space<vmem_shared>>
          tpu.enqueue_indirect_dma source(%arg17 : memref<128xf32, #tpu.memory_space<vmem>>) target(%dma_start3A_81 : memref<50048xf32, #tpu.memory_space<vmem_shared>>) offsets(%arg12 : memref<128xi32, #tpu.memory_space<vmem>>) semaphore(%run_scoped3A : memref<!tpu.dma_semaphore, #tpu.memory_space<semaphore_mem>>) {add = true}
          %dma_wait3A_82 = arith.constant 0 : i32
          %dma_wait3A_83 = tpu.memref_slice %arg10[%dma_wait3A_82] : memref<50048xf32, #tpu.memory_space<vmem_shared>> -> memref<50048xf32, #tpu.memory_space<vmem_shared>>
          tpu.wait_indirect_dma semaphore(%run_scoped3A : memref<!tpu.dma_semaphore, #tpu.memory_space<semaphore_mem>>) src(%arg17 : memref<128xf32, #tpu.memory_space<vmem>>) dst(%dma_wait3A_83 : memref<50048xf32, #tpu.memory_space<vmem_shared>>)
          tpu.yield
        }) : () -> ()
        %add3A_75 = arith.constant 2 : i32
        %add3A_76 = arith.addi %add3A_59, %add3A_75 : i32
        %lt3A_77 = arith.cmpi slt, %add3A_76, %max3A_33 : i32
        %convert_element_type3A_78 = arith.extui %lt3A_77 : i1 to i32
        %cond3A_79 = arith.constant 0 : i32
        %cond3A_80 = arith.cmpi ne, %convert_element_type3A_78, %cond3A_79 : i32
        scf.if %cond3A_80 {
          %add3A_81 = arith.constant 2 : i32
          %add3A_82 = arith.addi %add3A_59, %add3A_81 : i32
          %mul3A_83 = arith.constant 128 : i32
          %mul3A_84 = arith.muli %add3A_82, %mul3A_83 : i32
          %add3A_85 = arith.addi %mul3A_13, %mul3A_84 : i32
          %dma_start3A = tpu.memref_slice %arg3[%add3A_85] : memref<800000xi32, #tpu.memory_space<hbm>> -> memref<128xi32, #tpu.memory_space<hbm>>
          %dma_start3A_86 = tpu.memref_slice %arg3[%add3A_85] : memref<800000xi32, #tpu.memory_space<hbm>> -> memref<128xi32, #tpu.memory_space<hbm>>
          tpu.enqueue_dma source(%dma_start3A_86 : memref<128xi32, #tpu.memory_space<hbm>>) target(%arg12 : memref<128xi32, #tpu.memory_space<vmem>>) target_semaphore(%arg19 : memref<!tpu.dma_semaphore, #tpu.memory_space<semaphore_mem>>)
          %mul3A_87 = arith.constant 128 : i32
          %mul3A_88 = arith.muli %add3A_82, %mul3A_87 : i32
          %add3A_89 = arith.addi %mul3A_13, %mul3A_88 : i32
          %dma_start3A_90 = arith.constant 0 : i32
          %dma_start3A_91 = tpu.memref_slice %arg2[%add3A_89, %dma_start3A_90] : memref<819200x32xf32, #tpu.memory_space<hbm>> -> memref<128x32xf32, #tpu.memory_space<hbm>>
          %dma_start3A_92 = arith.constant 0 : i32
          %dma_start3A_93 = tpu.memref_slice %arg2[%add3A_89, %dma_start3A_92] : memref<819200x32xf32, #tpu.memory_space<hbm>> -> memref<128x32xf32, #tpu.memory_space<hbm>>
          tpu.enqueue_dma source(%dma_start3A_93 : memref<128x32xf32, #tpu.memory_space<hbm>>) target(%arg14 : memref<128x32xf32, #tpu.memory_space<vmem>>) target_semaphore(%arg19 : memref<!tpu.dma_semaphore, #tpu.memory_space<semaphore_mem>>)
        } else {
        }
      } else {
      }
    }
    %scan3A_46 = arith.constant 100 : i32
    %barrier3A_47 = arith.constant 0 : index
    tpu.barrier barrier_id(%barrier3A_47)
    "tpu.region"() ({
      %run_scoped3A = tpu.sem_alloc : memref<!tpu.dma_semaphore, #tpu.memory_space<semaphore_mem>>
      %dma_start3A = arith.constant 0 : i32
      %dma_start3A_48 = tpu.memref_slice %arg7[%arg0, %mul3A_0, %dma_start3A] : memref<2x50048x32xf32, #tpu.memory_space<hbm>> -> memref<1x3128x32xf32, #tpu.memory_space<hbm>>
      %dma_start3A_49 = tpu.memref_squeeze %dma_start3A_48 : memref<1x3128x32xf32, #tpu.memory_space<hbm>> -> memref<3128x32xf32, #tpu.memory_space<hbm>>
      %dma_start3A_50 = arith.constant 0 : i32
      %dma_start3A_51 = tpu.memref_slice %arg9[%mul3A_0, %dma_start3A_50] : memref<50048x32xf32, #tpu.memory_space<vmem_shared>> -> memref<3128x32xf32, #tpu.memory_space<vmem_shared>>
      tpu.enqueue_dma source(%dma_start3A_51 : memref<3128x32xf32, #tpu.memory_space<vmem_shared>>) target(%dma_start3A_49 : memref<3128x32xf32, #tpu.memory_space<hbm>>) target_semaphore(%run_scoped3A : memref<!tpu.dma_semaphore, #tpu.memory_space<semaphore_mem>>)
      %dma_wait3A = arith.constant 0 : i32
      %dma_wait3A_52 = tpu.memref_slice %arg7[%arg0, %mul3A_0, %dma_wait3A] : memref<2x50048x32xf32, #tpu.memory_space<hbm>> -> memref<1x3128x32xf32, #tpu.memory_space<hbm>>
      %dma_wait3A_53 = tpu.memref_squeeze %dma_wait3A_52 : memref<1x3128x32xf32, #tpu.memory_space<hbm>> -> memref<3128x32xf32, #tpu.memory_space<hbm>>
      %dma_wait3A_54 = arith.constant 0 : i32
      %dma_wait3A_55 = tpu.memref_slice %arg9[%mul3A_0, %dma_wait3A_54] : memref<50048x32xf32, #tpu.memory_space<vmem_shared>> -> memref<3128x32xf32, #tpu.memory_space<vmem_shared>>
      tpu.wait_dma2 semaphore(%run_scoped3A : memref<!tpu.dma_semaphore, #tpu.memory_space<semaphore_mem>>) src(%dma_wait3A_55 : memref<3128x32xf32, #tpu.memory_space<vmem_shared>>) dst(%dma_wait3A_53 : memref<3128x32xf32, #tpu.memory_space<hbm>>)
      tpu.yield
    }) : () -> ()
    "tpu.region"() ({
      %run_scoped3A = tpu.sem_alloc : memref<!tpu.dma_semaphore, #tpu.memory_space<semaphore_mem>>
      %dma_start3A = tpu.memref_slice %arg8[%arg0, %mul3A_0] : memref<2x50048xf32, #tpu.memory_space<hbm>> -> memref<1x3128xf32, #tpu.memory_space<hbm>>
      %dma_start3A_48 = tpu.memref_squeeze %dma_start3A : memref<1x3128xf32, #tpu.memory_space<hbm>> -> memref<3128xf32, #tpu.memory_space<hbm>>
      %dma_start3A_49 = tpu.memref_slice %arg10[%mul3A_0] : memref<50048xf32, #tpu.memory_space<vmem_shared>> -> memref<3128xf32, #tpu.memory_space<vmem_shared>>
      tpu.enqueue_dma source(%dma_start3A_49 : memref<3128xf32, #tpu.memory_space<vmem_shared>>) target(%dma_start3A_48 : memref<3128xf32, #tpu.memory_space<hbm>>) target_semaphore(%run_scoped3A : memref<!tpu.dma_semaphore, #tpu.memory_space<semaphore_mem>>)
      %dma_wait3A = tpu.memref_slice %arg8[%arg0, %mul3A_0] : memref<2x50048xf32, #tpu.memory_space<hbm>> -> memref<1x3128xf32, #tpu.memory_space<hbm>>
      %dma_wait3A_50 = tpu.memref_squeeze %dma_wait3A : memref<1x3128xf32, #tpu.memory_space<hbm>> -> memref<3128xf32, #tpu.memory_space<hbm>>
      %dma_wait3A_51 = tpu.memref_slice %arg10[%mul3A_0] : memref<50048xf32, #tpu.memory_space<vmem_shared>> -> memref<3128xf32, #tpu.memory_space<vmem_shared>>
      tpu.wait_dma2 semaphore(%run_scoped3A : memref<!tpu.dma_semaphore, #tpu.memory_space<semaphore_mem>>) src(%dma_wait3A_51 : memref<3128xf32, #tpu.memory_space<vmem_shared>>) dst(%dma_wait3A_50 : memref<3128xf32, #tpu.memory_space<hbm>>)
      tpu.yield
    }) : () -> ()
    return
  }
}

module attributes {stable_mosaic.version = 14 : i64} {
  func.func @body(%arg0: i32, %arg1: memref<4096xf32, #tpu.memory_space<vmem>>, %arg2: memref<4096xf32, #tpu.memory_space<vmem>>, %arg3: memref<4096xf32, #tpu.memory_space<vmem>>, %arg4: memref<128x3xf32, #tpu.memory_space<vmem>>, %arg5: memref<128x1xf32, #tpu.memory_space<vmem>>, %arg6: memref<32x128xf32, #tpu.memory_space<vmem>>, %arg7: memref<32x1xf32, #tpu.memory_space<vmem>>, %arg8: memref<4096x32xf32, #tpu.memory_space<vmem>>) attributes {dimension_semantics = [#tpu.dimension_semantics<arbitrary>], iteration_bounds = array<i64: 196>, scalar_prefetch = 0 : i64, scratch_operands = 0 : i64, tpu.core_type = #tpu.core_type<tc>, window_params = [{transform_indices = @transform_0, window_bounds = array<i64: 4096>}, {transform_indices = @transform_1, window_bounds = array<i64: 4096>}, {transform_indices = @transform_2, window_bounds = array<i64: 4096>}, {pipeline_mode = #tpu.pipeline_mode<synchronous>, transform_indices = @transform_3, window_bounds = array<i64: 128, 3>}, {pipeline_mode = #tpu.pipeline_mode<synchronous>, transform_indices = @transform_4, window_bounds = array<i64: 128, 1>}, {pipeline_mode = #tpu.pipeline_mode<synchronous>, transform_indices = @transform_5, window_bounds = array<i64: 32, 128>}, {pipeline_mode = #tpu.pipeline_mode<synchronous>, transform_indices = @transform_6, window_bounds = array<i64: 32, 1>}, {transform_indices = @transform_7, window_bounds = array<i64: 4096, 32>}]} {
    %get3A = arith.constant 0 : index
    %get3A_0 = arith.constant 0 : index
    %get3A_1 = vector.load %arg4[%get3A, %get3A_0] : memref<128x3xf32, #tpu.memory_space<vmem>>, vector<128x1xf32>
    %get3A_2 = arith.constant 0 : index
    %get3A_3 = vector.load %arg1[%get3A_2] : memref<4096xf32, #tpu.memory_space<vmem>>, vector<4096xf32>
    %reshape3A = vector.shape_cast %get3A_3 : vector<4096xf32> to vector<1x4096xf32>
    %mul3A = vector.broadcast %get3A_1 : vector<128x1xf32> to vector<128x4096xf32>
    %mul3A_4 = vector.broadcast %reshape3A : vector<1x4096xf32> to vector<128x4096xf32>
    %mul3A_5 = arith.mulf %mul3A, %mul3A_4 : vector<128x4096xf32>
    %get3A_6 = arith.constant 0 : index
    %get3A_7 = arith.constant 1 : index
    %get3A_8 = vector.load %arg4[%get3A_6, %get3A_7] : memref<128x3xf32, #tpu.memory_space<vmem>>, vector<128x1xf32>
    %get3A_9 = arith.constant 0 : index
    %get3A_10 = vector.load %arg2[%get3A_9] : memref<4096xf32, #tpu.memory_space<vmem>>, vector<4096xf32>
    %reshape3A_11 = vector.shape_cast %get3A_10 : vector<4096xf32> to vector<1x4096xf32>
    %mul3A_12 = vector.broadcast %get3A_8 : vector<128x1xf32> to vector<128x4096xf32>
    %mul3A_13 = vector.broadcast %reshape3A_11 : vector<1x4096xf32> to vector<128x4096xf32>
    %mul3A_14 = arith.mulf %mul3A_12, %mul3A_13 : vector<128x4096xf32>
    %add3A = arith.addf %mul3A_5, %mul3A_14 : vector<128x4096xf32>
    %get3A_15 = arith.constant 0 : index
    %get3A_16 = arith.constant 2 : index
    %get3A_17 = vector.load %arg4[%get3A_15, %get3A_16] : memref<128x3xf32, #tpu.memory_space<vmem>>, vector<128x1xf32>
    %get3A_18 = arith.constant 0 : index
    %get3A_19 = vector.load %arg3[%get3A_18] : memref<4096xf32, #tpu.memory_space<vmem>>, vector<4096xf32>
    %reshape3A_20 = vector.shape_cast %get3A_19 : vector<4096xf32> to vector<1x4096xf32>
    %mul3A_21 = vector.broadcast %get3A_17 : vector<128x1xf32> to vector<128x4096xf32>
    %mul3A_22 = vector.broadcast %reshape3A_20 : vector<1x4096xf32> to vector<128x4096xf32>
    %mul3A_23 = arith.mulf %mul3A_21, %mul3A_22 : vector<128x4096xf32>
    %add3A_24 = arith.addf %add3A, %mul3A_23 : vector<128x4096xf32>
    %get3A_25 = arith.constant 0 : index
    %get3A_26 = arith.constant 0 : index
    %get3A_27 = vector.load %arg5[%get3A_25, %get3A_26] : memref<128x1xf32, #tpu.memory_space<vmem>>, vector<128x1xf32>
    %add3A_28 = vector.broadcast %get3A_27 : vector<128x1xf32> to vector<128x4096xf32>
    %add3A_29 = arith.addf %add3A_24, %add3A_28 : vector<128x4096xf32>
    %max3A = arith.constant 0.000000e+00 : f32
    %max3A_30 = vector.broadcast %max3A : f32 to vector<128x4096xf32>
    %max3A_31 = arith.maximumf %add3A_29, %max3A_30 : vector<128x4096xf32>
    %get3A_32 = arith.constant 0 : index
    %get3A_33 = arith.constant 0 : index
    %get3A_34 = vector.load %arg6[%get3A_32, %get3A_33] : memref<32x128xf32, #tpu.memory_space<vmem>>, vector<32x128xf32>
    %dot_general3A = arith.constant dense<0.000000e+00> : vector<32x4096xf32>
    %dot_general3A_35 = tpu.matmul %get3A_34, %max3A_31, %dot_general3A {dimension_numbers = #tpu.dot_dimension_numbers<[1], [0], [0], [1], [0, 0, 1, 1], [], []>, transpose_lhs_hint = false} : vector<32x128xf32>, vector<128x4096xf32>, vector<32x4096xf32> -> vector<32x4096xf32>
    %get3A_36 = arith.constant 0 : index
    %get3A_37 = arith.constant 0 : index
    %get3A_38 = vector.load %arg7[%get3A_36, %get3A_37] : memref<32x1xf32, #tpu.memory_space<vmem>>, vector<32x1xf32>
    %add3A_39 = vector.broadcast %get3A_38 : vector<32x1xf32> to vector<32x4096xf32>
    %add3A_40 = arith.addf %dot_general3A_35, %add3A_39 : vector<32x4096xf32>
    %transpose3A = tpu.transpose %add3A_40, [1, 0] : vector<32x4096xf32> -> vector<4096x32xf32>
    %swap3A = arith.constant 0 : index
    %swap3A_41 = arith.constant 0 : index
    %swap3A_42 = vector.load %arg8[%swap3A, %swap3A_41] : memref<4096x32xf32, #tpu.memory_space<vmem>>, vector<4096x32xf32>
    tpu.vector_store %arg8[%swap3A, %swap3A_41], %transpose3A {strides = array<i32>} : memref<4096x32xf32, #tpu.memory_space<vmem>>, vector<4096x32xf32>,
    return
  }
  func.func @transform_0(%arg0: i32) -> i32 {
    %c0_i32 = arith.constant 0 : i32
    return %arg0 : i32
  }
  func.func @transform_1(%arg0: i32) -> i32 {
    %c0_i32 = arith.constant 0 : i32
    return %arg0 : i32
  }
  func.func @transform_2(%arg0: i32) -> i32 {
    %c0_i32 = arith.constant 0 : i32
    return %arg0 : i32
  }
  func.func @transform_3(%arg0: i32) -> (i32, i32) {
    %c0_i32 = arith.constant 0 : i32
    %c0_i32_0 = arith.constant 0 : i32
    %c0_i32_1 = arith.constant 0 : i32
    return %c0_i32, %c0_i32_0 : i32, i32
  }
  func.func @transform_4(%arg0: i32) -> (i32, i32) {
    %c0_i32 = arith.constant 0 : i32
    %c0_i32_0 = arith.constant 0 : i32
    %c0_i32_1 = arith.constant 0 : i32
    return %c0_i32, %c0_i32_0 : i32, i32
  }
  func.func @transform_5(%arg0: i32) -> (i32, i32) {
    %c0_i32 = arith.constant 0 : i32
    %c0_i32_0 = arith.constant 0 : i32
    %c0_i32_1 = arith.constant 0 : i32
    return %c0_i32, %c0_i32_0 : i32, i32
  }
  func.func @transform_6(%arg0: i32) -> (i32, i32) {
    %c0_i32 = arith.constant 0 : i32
    %c0_i32_0 = arith.constant 0 : i32
    %c0_i32_1 = arith.constant 0 : i32
    return %c0_i32, %c0_i32_0 : i32, i32
  }
  func.func @transform_7(%arg0: i32) -> (i32, i32) {
    %c0_i32 = arith.constant 0 : i32
    %c0_i32_0 = arith.constant 0 : i32
    return %arg0, %c0_i32 : i32, i32
  }
}

module attributes {stable_mosaic.version = 14 : i64} {
  func.func @body(%arg0: i32, %arg1: memref<2000x2xf32, #tpu.memory_space<vmem>>, %arg2: memref<2x2000x32xf32, #tpu.memory_space<vmem>>, %arg3: memref<2x2000x1xf32, #tpu.memory_space<vmem>>, %arg4: memref<2x128xf32, #tpu.memory_space<vmem>>, %arg5: memref<32x128xf32, #tpu.memory_space<vmem>>, %arg6: memref<1x128xf32, #tpu.memory_space<vmem>>, %arg7: memref<128x2xf32, #tpu.memory_space<vmem>>, %arg8: memref<1x2xf32, #tpu.memory_space<vmem>>, %arg9: memref<2000x2xf32, #tpu.memory_space<vmem>>) attributes {dimension_semantics = [#tpu.dimension_semantics<arbitrary>], iteration_bounds = array<i64: 25>, scalar_prefetch = 0 : i64, scratch_operands = 0 : i64, tpu.core_type = #tpu.core_type<tc>, window_params = [{transform_indices = @transform_0, window_bounds = array<i64: 2000, 2>}, {transform_indices = @transform_1, window_bounds = array<i64: 2, 2000, 32>}, {transform_indices = @transform_2, window_bounds = array<i64: 2, 2000, 1>}, {pipeline_mode = #tpu.pipeline_mode<synchronous>, transform_indices = @transform_3, window_bounds = array<i64: 2, 128>}, {pipeline_mode = #tpu.pipeline_mode<synchronous>, transform_indices = @transform_4, window_bounds = array<i64: 32, 128>}, {pipeline_mode = #tpu.pipeline_mode<synchronous>, transform_indices = @transform_5, window_bounds = array<i64: 1, 128>}, {pipeline_mode = #tpu.pipeline_mode<synchronous>, transform_indices = @transform_6, window_bounds = array<i64: 128, 2>}, {pipeline_mode = #tpu.pipeline_mode<synchronous>, transform_indices = @transform_7, window_bounds = array<i64: 1, 2>}, {transform_indices = @transform_8, window_bounds = array<i64: 2000, 2>}]} {
    %get3A = arith.constant 0 : index
    %get3A_0 = arith.constant 0 : index
    %get3A_1 = arith.constant 0 : index
    %get3A_2 = vector.load %arg2[%get3A, %get3A_0, %get3A_1] : memref<2x2000x32xf32, #tpu.memory_space<vmem>>, vector<1x2000x32xf32>
    %get3A_3 = vector.shape_cast %get3A_2 : vector<1x2000x32xf32> to vector<2000x32xf32>
    %get3A_4 = arith.constant 1 : index
    %get3A_5 = arith.constant 0 : index
    %get3A_6 = arith.constant 0 : index
    %get3A_7 = vector.load %arg2[%get3A_4, %get3A_5, %get3A_6] : memref<2x2000x32xf32, #tpu.memory_space<vmem>>, vector<1x2000x32xf32>
    %get3A_8 = vector.shape_cast %get3A_7 : vector<1x2000x32xf32> to vector<2000x32xf32>
    %add3A = arith.addf %get3A_3, %get3A_8 : vector<2000x32xf32>
    %get3A_9 = arith.constant 0 : index
    %get3A_10 = arith.constant 0 : index
    %get3A_11 = arith.constant 0 : index
    %get3A_12 = vector.load %arg3[%get3A_9, %get3A_10, %get3A_11] : memref<2x2000x1xf32, #tpu.memory_space<vmem>>, vector<1x2000x1xf32>
    %get3A_13 = vector.shape_cast %get3A_12 : vector<1x2000x1xf32> to vector<2000x1xf32>
    %get3A_14 = arith.constant 1 : index
    %get3A_15 = arith.constant 0 : index
    %get3A_16 = arith.constant 0 : index
    %get3A_17 = vector.load %arg3[%get3A_14, %get3A_15, %get3A_16] : memref<2x2000x1xf32, #tpu.memory_space<vmem>>, vector<1x2000x1xf32>
    %get3A_18 = vector.shape_cast %get3A_17 : vector<1x2000x1xf32> to vector<2000x1xf32>
    %add3A_19 = arith.addf %get3A_13, %get3A_18 : vector<2000x1xf32>
    %max3A = arith.constant 1.000000e+00 : f32
    %max3A_20 = vector.broadcast %max3A : f32 to vector<2000x1xf32>
    %max3A_21 = arith.maximumf %add3A_19, %max3A_20 : vector<2000x1xf32>
    %div3A = vector.broadcast %max3A_21 : vector<2000x1xf32> to vector<2000x32xf32>
    %div3A_22 = arith.divf %add3A, %div3A : vector<2000x32xf32>
    %get3A_23 = arith.constant 0 : index
    %get3A_24 = arith.constant 0 : index
    %get3A_25 = vector.load %arg1[%get3A_23, %get3A_24] : memref<2000x2xf32, #tpu.memory_space<vmem>>, vector<2000x2xf32>
    %get3A_26 = arith.constant 0 : index
    %get3A_27 = arith.constant 0 : index
    %get3A_28 = vector.load %arg4[%get3A_26, %get3A_27] : memref<2x128xf32, #tpu.memory_space<vmem>>, vector<2x128xf32>
    %dot_general3A = arith.constant dense<0.000000e+00> : vector<2000x128xf32>
    %dot_general3A_29 = tpu.matmul %get3A_25, %get3A_28, %dot_general3A {dimension_numbers = #tpu.dot_dimension_numbers<[1], [0], [0], [1], [0, 0, 1, 1], [], []>, transpose_lhs_hint = false} : vector<2000x2xf32>, vector<2x128xf32>, vector<2000x128xf32> -> vector<2000x128xf32>
    %get3A_30 = arith.constant 0 : index
    %get3A_31 = arith.constant 0 : index
    %get3A_32 = vector.load %arg5[%get3A_30, %get3A_31] : memref<32x128xf32, #tpu.memory_space<vmem>>, vector<32x128xf32>
    %dot_general3A_33 = arith.constant dense<0.000000e+00> : vector<2000x128xf32>
    %dot_general3A_34 = tpu.matmul %div3A_22, %get3A_32, %dot_general3A_33 {dimension_numbers = #tpu.dot_dimension_numbers<[1], [0], [0], [1], [0, 0, 1, 1], [], []>, transpose_lhs_hint = false} : vector<2000x32xf32>, vector<32x128xf32>, vector<2000x128xf32> -> vector<2000x128xf32>
    %add3A_35 = arith.addf %dot_general3A_29, %dot_general3A_34 : vector<2000x128xf32>
    %get3A_36 = arith.constant 0 : index
    %get3A_37 = arith.constant 0 : index
    %get3A_38 = vector.load %arg6[%get3A_36, %get3A_37] : memref<1x128xf32, #tpu.memory_space<vmem>>, vector<1x128xf32>
    %add3A_39 = vector.broadcast %get3A_38 : vector<1x128xf32> to vector<2000x128xf32>
    %add3A_40 = arith.addf %add3A_35, %add3A_39 : vector<2000x128xf32>
    %max3A_41 = arith.constant 0.000000e+00 : f32
    %max3A_42 = vector.broadcast %max3A_41 : f32 to vector<2000x128xf32>
    %max3A_43 = arith.maximumf %add3A_40, %max3A_42 : vector<2000x128xf32>
    %get3A_44 = arith.constant 0 : index
    %get3A_45 = arith.constant 0 : index
    %get3A_46 = vector.load %arg7[%get3A_44, %get3A_45] : memref<128x2xf32, #tpu.memory_space<vmem>>, vector<128x2xf32>
    %dot_general3A_47 = arith.constant dense<0.000000e+00> : vector<2000x2xf32>
    %dot_general3A_48 = tpu.matmul %max3A_43, %get3A_46, %dot_general3A_47 {dimension_numbers = #tpu.dot_dimension_numbers<[1], [0], [0], [1], [0, 0, 1, 1], [], []>, transpose_lhs_hint = false} : vector<2000x128xf32>, vector<128x2xf32>, vector<2000x2xf32> -> vector<2000x2xf32>
    %get3A_49 = arith.constant 0 : index
    %get3A_50 = arith.constant 0 : index
    %get3A_51 = vector.load %arg8[%get3A_49, %get3A_50] : memref<1x2xf32, #tpu.memory_space<vmem>>, vector<1x2xf32>
    %add3A_52 = vector.broadcast %get3A_51 : vector<1x2xf32> to vector<2000x2xf32>
    %add3A_53 = arith.addf %dot_general3A_48, %add3A_52 : vector<2000x2xf32>
    %swap3A = arith.constant 0 : index
    %swap3A_54 = arith.constant 0 : index
    %swap3A_55 = vector.load %arg9[%swap3A, %swap3A_54] : memref<2000x2xf32, #tpu.memory_space<vmem>>, vector<2000x2xf32>
    tpu.vector_store %arg9[%swap3A, %swap3A_54], %add3A_53 {strides = array<i32>} : memref<2000x2xf32, #tpu.memory_space<vmem>>, vector<2000x2xf32>,
    return
  }
  func.func @transform_0(%arg0: i32) -> (i32, i32) {
    %c0_i32 = arith.constant 0 : i32
    %c0_i32_0 = arith.constant 0 : i32
    return %arg0, %c0_i32 : i32, i32
  }
  func.func @transform_1(%arg0: i32) -> (i32, i32, i32) {
    %c0_i32 = arith.constant 0 : i32
    %c0_i32_0 = arith.constant 0 : i32
    %c0_i32_1 = arith.constant 0 : i32
    return %c0_i32, %arg0, %c0_i32_0 : i32, i32, i32
  }
  func.func @transform_2(%arg0: i32) -> (i32, i32, i32) {
    %c0_i32 = arith.constant 0 : i32
    %c0_i32_0 = arith.constant 0 : i32
    %c0_i32_1 = arith.constant 0 : i32
    return %c0_i32, %arg0, %c0_i32_0 : i32, i32, i32
  }
  func.func @transform_3(%arg0: i32) -> (i32, i32) {
    %c0_i32 = arith.constant 0 : i32
    %c0_i32_0 = arith.constant 0 : i32
    %c0_i32_1 = arith.constant 0 : i32
    return %c0_i32, %c0_i32_0 : i32, i32
  }
  func.func @transform_4(%arg0: i32) -> (i32, i32) {
    %c0_i32 = arith.constant 0 : i32
    %c0_i32_0 = arith.constant 0 : i32
    %c0_i32_1 = arith.constant 0 : i32
    return %c0_i32, %c0_i32_0 : i32, i32
  }
  func.func @transform_5(%arg0: i32) -> (i32, i32) {
    %c0_i32 = arith.constant 0 : i32
    %c0_i32_0 = arith.constant 0 : i32
    %c0_i32_1 = arith.constant 0 : i32
    return %c0_i32, %c0_i32_0 : i32, i32
  }
  func.func @transform_6(%arg0: i32) -> (i32, i32) {
    %c0_i32 = arith.constant 0 : i32
    %c0_i32_0 = arith.constant 0 : i32
    %c0_i32_1 = arith.constant 0 : i32
    return %c0_i32, %c0_i32_0 : i32, i32
  }
  func.func @transform_7(%arg0: i32) -> (i32, i32) {
    %c0_i32 = arith.constant 0 : i32
    %c0_i32_0 = arith.constant 0 : i32
    %c0_i32_1 = arith.constant 0 : i32
    return %c0_i32, %c0_i32_0 : i32, i32
  }
  func.func @transform_8(%arg0: i32) -> (i32, i32) {
    %c0_i32 = arith.constant 0 : i32
    %c0_i32_0 = arith.constant 0 : i32
    return %arg0, %c0_i32 : i32, i32
  }
}

</mosaic_0001>

<sc_bundles>
// kernel: kernel.6.cloned.1.call-start
scs
__scs_entry_jumppad:
0x0: {  	(pc) =	sbr.rel $0x88, $3  }
0x1: {  	(tag) =	ssettag $0x0;
	lr =	simm.s32 $0x1  }
0x2: {  	[smem:$0x3F96] =	sst lr;
	_ =	strace $0xD0000000  }
0x3: {  	_ = 	snop  }
0x4: {  	_ = 	snop  }
0x5: {  	_ = 	snop  }
0x6: {  	_ = 	snop  }
0x7: {  	_ = 	snop  }
__scs_overlays_trampoline_lowered:
0x8: {  	[smem:$0x3FA5] =	sst s0  }
0x9: {  	[smem:$0x3FA6] =	sst s1  }
0xa: {  	[smem:$0x3FA7] =	sst s2  }
0xb: {  	[smem:$0x3FA8] =	sst s3  }
0xc: {  	[smem:$0x3FA9] =	sst s4  }
0xd: {  	[smem:$0x3FAA] =	sst s5  }
0xe: {  	[smem:$0x3FAB] =	sst s6  }
0xf: {  	[smem:$0x3FAC] =	sst s7  }
0x10: {  	[smem:$0x3FAD] =	sst s8  }
0x11: {  	[smem:$0x3FAE] =	sst s9;
	s0 =	simm.s32 @!p0 $0x0  }
0x12: {  	s1 =	sld [smem:$0x3F94];
	s0 =	simm.s32 @p0 $0x1  }
0x13: {  	[smem:$0x3FAF] =	sst s0;
	s0 =	simm.s32 @!p1 $0x0  }
0x14: {  	s2 =	sld [smem:$0x3F93];
	s0 =	simm.s32 @p1 $0x1  }
0x15: {  	[smem:$0x3FB0] =	sst s0;
	s0 =	simm.s32 @!p2 $0x0  }
0x16: {  	s3 =	sld [smem:$0x3FDB];
	s0 =	simm.s32 @p2 $0x1  }
0x17: {  	s4 =	simm.s32 $0x1BF5;
	[smem:$0x3FB2] =	sst s0  }
0x18: {  	s0 =	sld [smem:$0x3F95];
	_ =	swait.ge [sflag:s4], $0x0  }
0x19: {  	s7 =	sld [smem:$0x3F96]  }
0x1a: {  	s8 =	sadd.s32 $0xFFFFE003, lr  }
0x1b: {  	s9 =	sadd.s32 $0xFFFFFEF7, lr;
	s5 =	simm.s32 $0xFFFFFFFF;
	p2 =	slt.u32 s8, $0xFFFFF086  }
0x1c: {  	p1 =	slt.u32 s9, $0xF7A;
	s5 =	simm.s32 @!p2 $0x0  }
0x1d: {  	s5 =	simm.s32 @p1 $0x1;
	p0 =	seq.s32 s7, s2  }
0x1e: {  	s7 =	smul.u32 @!p0 $0xF7A, s2;
	p2 =	seq.s32 @!p0 s5, $0x0  }
0x1f: {  	s9 =	smul.u32 $0xF7A, s1;
	s8 =	simm.s32 @!p0 $0x1BF5;
	p2 =	por !p2, p0  }
0x20: {  	[sflag:s8] =	ssyncset.s32 @!p0 $0xFFFFF086;
	s6 =	sadd.s32 @!p0 s3, s7;
	s7 =	simm.s32 @!p0 $0x108  }
0x21: {  	s3 =	sadd.s32 s3, s9;
	s6 =	sadd.s32 @!p0 $0x88, s6;
	s7 =	simm.s32 @p2 $0x1082  }
0x22: {  	[simem:s7], [sflag:s8] =	dma.local @!p0 [hbm:s6], $0xF7A  }
0x23: {  	s9 =	sor.u32 $0xD0000000, s2;
	s6 =	simm.s32 $0x108;
	_ =	swait.ge @!p0 [sflag:s8], $0x0  }
0x24: {  	s3 =	sadd.s32 $0x88, s3;
	s6 =	simm.s32 @!p1 $0x1082;
	[sflag:s4] =	ssyncset.s32 $0xFFFFF086  }
0x25: {  	[simem:s6], [sflag:s4] =	dma.local [hbm:s3], $0xF7A  }
0x26: {  	[smem:$0x3F96] =	sst s1;
	(tag) =	ssettag s2;
	_ =	strace s9  }
0x27: {  	s1 =	sld [smem:$0x3FA6]  }
0x28: {  	s2 =	sld [smem:$0x3FA7]  }
0x29: {  	s4 =	sld [smem:$0x3FA9]  }
0x2a: {  	p0 =	seq.s32 s5, $0x0;
	s5 =	sld [smem:$0x3FAA]  }
0x2b: {  	s6 =	sld [smem:$0x3FAB]  }
0x2c: {  	s7 =	sld [smem:$0x3FAC]  }
0x2d: {  	s3 =	simm.s32 $0x108;
	s8 =	sld [smem:$0x3FAD]  }
0x2e: {  	s3 =	simm.s32 @!p0 $0x1082;
	s9 =	sld [smem:$0x3FAE]  }
0x2f: {  	lr =	sadd.s32 s0, s3;
	s0 =	sld [smem:$0x3FA5]  }
0x30: {  	s3 =	sld [smem:$0x3FA8]  }
0x31: {  	[smem:$0x3FB1] =	sst s10  }
0x32: {  	s10 =	sld [smem:$0x3FAF];
	_ =	sdelay $0x3  }
0x33: {  	p0 =	seq.s32 s10, $0x1;
	s10 =	sld [smem:$0x3FB1];
	_ =	sdelay $0x3  }
0x34: {  	[smem:$0x3FB1] =	sst s10  }
0x35: {  	s10 =	sld [smem:$0x3FB0];
	_ =	sdelay $0x3  }
0x36: {  	p1 =	seq.s32 s10, $0x1;
	s10 =	sld [smem:$0x3FB1];
	_ =	sdelay $0x3  }
0x37: {  	[smem:$0x3FB1] =	sst s10  }
0x38: {  	s10 =	sld [smem:$0x3FB2]  }
0x39: {  	_ = 	snop;
	(pc) =	sbr.ind lr, $3  }
0x3a: {  	_ = 	snop  }
0x3b: {  	_ = 	snop  }
0x3c: {  	p2 =	seq.s32 s10, $0x1;
	s10 =	sld [smem:$0x3FB1]  }
0x3d: {  	_ =	shalt  }
0x3e: {  	_ =	shalt  }
0x3f: {  	_ =	shalt  }
0x40: {  	_ =	shalt  }
0x41: {  	_ =	shalt  }
0x42: {  	_ =	shalt  }
0x43: {  	_ =	shalt  }
0x44: {  	_ =	shalt  }
0x45: {  	_ =	shalt  }
0x46: {  	_ =	shalt  }
0x47: {  	_ =	shalt  }
0x48: {  	_ =	shalt  }
0x49: {  	_ =	shalt  }
0x4a: {  	_ =	shalt  }
0x4b: {  	_ =	shalt  }
0x4c: {  	_ =	shalt  }
0x4d: {  	_ =	shalt  }
0x4e: {  	_ =	shalt  }
0x4f: {  	_ =	shalt  }
0x50: {  	_ =	shalt  }
0x51: {  	_ =	shalt  }
0x52: {  	_ =	shalt  }
0x53: {  	_ =	shalt  }
0x54: {  	_ =	shalt  }
0x55: {  	_ =	shalt  }
0x56: {  	_ =	shalt  }
0x57: {  	_ =	shalt  }
0x58: {  	_ =	shalt  }
0x59: {  	_ =	shalt  }
0x5a: {  	_ =	shalt  }
0x5b: {  	_ =	shalt  }
0x5c: {  	_ =	shalt  }
0x5d: {  	_ =	shalt  }
0x5e: {  	_ =	shalt  }
0x5f: {  	_ =	shalt  }
0x60: {  	_ =	shalt  }
0x61: {  	_ =	shalt  }
0x62: {  	_ =	shalt  }
0x63: {  	_ =	shalt  }
0x64: {  	_ =	shalt  }
0x65: {  	_ =	shalt  }
0x66: {  	_ =	shalt  }
0x67: {  	_ =	shalt  }
0x68: {  	_ =	shalt  }
0x69: {  	_ =	shalt  }
0x6a: {  	_ =	shalt  }
0x6b: {  	_ =	shalt  }
0x6c: {  	_ =	shalt  }
0x6d: {  	_ =	shalt  }
0x6e: {  	_ =	shalt  }
0x6f: {  	_ =	shalt  }
0x70: {  	_ =	shalt  }
0x71: {  	_ =	shalt  }
0x72: {  	_ =	shalt  }
0x73: {  	_ =	shalt  }
0x74: {  	_ =	shalt  }
0x75: {  	_ =	shalt  }
0x76: {  	_ =	shalt  }
0x77: {  	_ =	shalt  }
0x78: {  	_ =	shalt  }
0x79: {  	_ =	shalt  }
0x7a: {  	_ =	shalt  }
0x7b: {  	_ =	shalt  }
0x7c: {  	_ =	shalt  }
0x7d: {  	_ =	shalt  }
0x7e: {  	_ =	shalt  }
0x7f: {  	_ =	shalt  }
0x80: {  	_ =	shalt  }
0x81: {  	_ =	shalt  }
0x82: {  	_ =	shalt  }
0x83: {  	_ =	shalt  }
0x84: {  	_ =	shalt  }
0x85: {  	_ =	shalt  }
0x86: {  	_ =	shalt  }
0x87: {  	_ =	shalt  }
.Lfunc_end0:
.L_simem_size_0:
called_computation_lowered:
.L_overlay_start_0:
0x88: {  	s2 =	sld [smem:$0x3FD9]  }
0x89: {  	s3 =	sld [smem:$0x3FFE];
	_ =	sdelay $0x1  }
0x8a: {  	s1 =	srdreg.scid  }
0x8b: {  	s0 =	sand.u32 $0x1, s1  }
0x8c: {  	s16 =	sshll.u32 s0, $0xA;
	s2 =	sadd.s32 s3, s2  }
0x8d: {  	s2 =	sadd.s32 s2, s16  }
0x8e: {  	[smem:$0x3FBD] =	sst s2  }
0x8f: {  	_ = 	snop  }
0x90: {  	(tm) =	ssettm $0x1  }
0x91: {  	s17 =	sld [smem:$0x3FFB];
	_ =	sdelay $0x3  }
0x92: {  	_ =	strace s17  }
0x93: {  	s2 =	sld [smem:$0x3FFC];
	_ =	sdelay $0x3  }
0x94: {  	_ =	strace s2  }
0x95: {  	s2 =	sld [smem:$0x3FFD];
	_ =	sdelay $0x3  }
0x96: {  	_ =	strace s2  }
0x97: {  	_ =	strace $0x8FFFFFFF  }
0x98: {  	s18 =	sld [smem:$0x3FDB];
	_ =	sdelay $0x1  }
0x99: {  	s19 =	simm.s32 $_scs_section_size  }
0x9a: {  	s4 =	simm.s32 $_size__tile_overlayer_lowered;
	s5 =	simm.s32 $_tile_overlayer_lowered  }
0x9b: {  	s22 =	simm.s32 $0x1BFF;
	s21 =	sshll.u32 s5, $0x1;
	s2 =	sadd.s32 s19, s18  }
0x9c: {  	s6 =	simm.s32 $0x0;
	s20 =	sshll.u32 s4, $0x1;
	s4 =	sadd.s32 s21, s2  }
0x9d: {  	[timem:s6], [sflag:s22] =	dma.local [hbm:s4], s20  }
0x9e: {  	_ =	swait.ge [sflag:s22], s20  }
0x9f: {  	s3 =	ssub.s32 $0x0, s20;
	[sflag:s22] =	ssyncset.done $0x0  }
0xa0: {  	[sflag:s22] =	ssyncadd.s32 s3;
	_ =	sdelay $0x1  }
0xa1: {  	s23 =	simm.s32 $0x1B8B  }
0xa2: {  	_ =	swait.ge [sflag:s23], $0x1  }
0xa3: {  	[sflag:s23] =	ssyncset.done $0x0  }
0xa4: {  	s25 =	simm.s32 $0x1B8E;
	s24 =	sld [smem:$0x3FFE];
	[sflag:s23] =	ssyncadd.s32 $0xFFFFFFFF  }
0xa5: {  	s26 =	simm.s32 $execute0_lowered;
	[smem:$0x3FD2] =	sst s25  }
0xa6: {  	s4 =	sshll.u32 s26, $0x1;
	_ =	strace $0x80000046;
	[dreg:$0x1] =	wrdreg $0xFFFFFFFF  }
0xa7: {  	s28 =	simm.s32 $_size_execute0_lowered;
	s2 =	sadd.s32 s2, s4;
	[dreg:$0x0] =	wrdreg $0x0  }
0xa8: {  	s4 =	sshll.u32 s28, $0x1;
	[dreg:$0x2] =	wrdreg s2  }
0xa9: {  	[dreg:$0x3] =	wrdreg s4  }
0xaa: {  	[dreg:$0x4] =	wrdreg $0xC0  }
0xab: {  	_ =	task [dreg:s6], $0x5FFFF  }
0xac: {  	[dreg:$0x1] =	wrdreg $0xFFFFFFFF  }
0xad: {  	[dreg:$0x0] =	wrdreg $0x60  }
0xae: {  	[dreg:$0x2] =	wrdreg s24  }
0xaf: {  	[dreg:$0x3] =	wrdreg $0x9  }
0xb0: {  	_ =	task.clear_ibuf [dreg:s6], $0x4FFFF;
	_ =	strace $0x90000046  }
0xb1: {  	s29 =	simm.s32 $0x9;
	_ =	strace $0x80000048  }
0xb2: {  	_ =	swait.ge [sflag:s29], $0x1  }
0xb3: {  	[sflag:s29] =	ssyncadd.s32 $0xFFFFFFFF  }
0xb4: {  	_ =	strace $0x90000048  }
0xb5: {  	_ =	sfence  }
0xb6: {  	s30 =	sld [smem:$0x0];
	_ =	sdelay $0x2  }
0xb7: {  	s31 =	sshll.u32 s1, $0xD;
	s1 =	sshrl.u32 s1, $0x2  }
0xb8: {  	s3 =	sand.u32 $0x4000, s31;
	s1 =	sadd.s32 s1, s30  }
0xb9: {  	s0 =	sor.u32 s3, s0;
	s1 =	sshll.u32 s1, $0x11  }
0xba: {  	s0 =	sor.u32 s1, s0  }
0xbb: {  	s0 =	sadd.s32 $0x8F2B, s0  }
0xbc: {  	[sflag:s0] =	ssyncadd.remote.s32 $0x1  }
0xbd: {  	_ =	sfence.sel $0xFFFF  }
0xbe: {  	[dreg:$0x0] =	wrdreg $0xFFFFFFFF;
	(pc) =	sbr.abs _section_cstart, $3  }
0xbf: {  	[dreg:$0x1] =	wrdreg $0xFFFFFFFF  }
0xc0: {  	_ =	task.clear_ibuf [dreg:s6], $0x2FFFF;
	_ =	strace $0x9FFFFFFF  }
0xc1: {  	(tm) =	ssettm $0x7FFFFFFF  }
tec
execute0_lowered:
.L_overlay_start_1:
0x0: {  	(tag) =	ssettag $0x1  }
0x1: {  	s6 =	rddreg [dreg:$0x0]  }
0x2: {  	s0 =	rddreg [dreg:$0x1]  }
0x3: {  	s1 =	simm.s32 $0x0;
	s2 =	srdreg.scid;
	s10 =	simm.s32 $0x186A0  }
0x4: {  	s11 =	simm.s32 $0x2;
	s12 =	simm.s32 $0x18CE0;
	s13 =	simm.s32 $0x19320  }
0x5: {  	s14 =	simm.s32 $0x0;
	[smem:$0x7FF] =	sst s1;
	s5 =	sand.u32 $0x1, s2  }
.Ltmp0:
0x6: {  	s3 =	sadd.s32 $0xC5E00, s6;
	s4 =	sadd.s32 $0xC9000, s6;
	(pc) =	sbr.rel .LBB2_1-.Ltmp0, $4  }
0x7: {  	s2 =	stileid.u32;
	_ =	strace $0x80000047;
	s7 =	ssub.s32 $0x2, s5  }
0x8: {  	s9 =	sshll.u32 s5, $0x4;
	s5 =	sadd.s32 $0xE1800, s6;
	s8 =	sshrl.u32 s7, $0x1  }
0x9: {  	s6 =	sadd.s32 $0xFA800, s6;
	s31 =	sor.u32 s2, s9;
	s8 =	ssub.s32 s7, s8  }
0xa: {  	s9 =	simm.s32 $0x1;
	s7 =	smul.u32 $0x6400, s31;
	s8 =	smax.u32 s8, $0x1  }
.LBB2_7:
0xb: {  	s14 =	sadd.s32 $0x1, s14  }
0xc: {  	p0 =	sne.s32 s14, s8  }
.Ltmp1:
0xd: {  	_ = 	snop;
	(pc) =	sbr.rel @!p0 .LBB2_8-.Ltmp1, $1  }
0xe: {  	_ =	sdelay $0x3  }
.LBB2_1:
.Ltmp2:
0xf: {  	(pc) =	sbr.rel .LBB2_2-.Ltmp2, $4  }
0x10: {  	[tilespmem:s1], [sflag:$0x1] =	stream.linear.gather [hbm4b:s3+s1], $0x186A0, $0x38;
	[tilespmem:$0x19960] =	vst v63  }
0x11: {  	_ =	swait.ge [sflag:s9], $0x186A0  }
0x12: {  	[sflag:s9] =	ssyncset.done $0x0  }
0x13: {  	s15 =	simm.s32 $0x0;
	[sflag:s9] =	ssyncadd.s32 $0xFFFE7960  }
.LBB2_6:
0x14: {  	s15 =	sadd.s32 $0x1, s15  }
0x15: {  	p0 =	sne.s32 s15, $0x10  }
.Ltmp3:
0x16: {  	_ = 	snop;
	(pc) =	sbr.rel @!p0 .LBB2_7-.Ltmp3, $1  }
0x17: {  	_ =	sdelay $0x3  }
.LBB2_2:
0x18: {  	s16 =	smul.u32 $0x640, s15;
	_ =	sdelay $0x1  }
0x19: {  	s16 =	sadd.s32 s7, s16  }
0x1a: {  	p0 =	sgt.u32 s16, $0xC34FF  }
.Ltmp4:
0x1b: {  	_ = 	snop;
	(pc) =	sbr.rel @p0 .LBB2_6-.Ltmp4, $1  }
0x1c: {  	_ =	sdelay $0x3  }
0x1d: {  	s16 =	sshrl.u32 s16, $0x3  }
0x1e: {  	s18 =	simm.s32 $0x0;
	s17 =	sadd.s32 s4, s16  }
0x1f: {  	[tilespmem:s10], [sflag:$0x2] =	stream.linear.gather [hbm4b:s17+s18], $0x640, $0x38;
	[tilespmem:$0x19960] =	vst v63  }
0x20: {  	_ =	swait.ge [sflag:s11], $0x640  }
0x21: {  	[sflag:s11] =	ssyncset.done $0x0  }
0x22: {  	s17 =	simm.s32 $0x0;
	[sflag:s11] =	ssyncadd.s32 $0xFFFFF9C0  }
0x23: {  	v0 =	vld [tilespmem:s17+$0x186A0];
	_ =	sdelay $0x4  }
0x24: {  	v1 =	vshll.u32 v0, $0x1;
	_ =	sdelay $0x4  }
0x25: {  	v0 =	vld.idx.msk [tilespmem:v1+s1+$0x0], $0xffff  }
0x26: {  	v1 =	vor.u32 $0x1, v1  }
0x27: {  	s19 =	simm.s32 $0x80;
	s18 =	simm.s32 $0x10  }
.LBB2_4:
0x28: {  	p0 =	sne.s32 s19, $0x18C0;
	v2 =	vld [tilespmem:s18+$0x186A0];
	_ =	sdelay $0x1  }
0x29: {  	[tilespmem:s17+$0x18CE0] =	vst v0  }
0x2a: {  	v0 =	vld.idx.msk [tilespmem:v1+s1+$0x0], $0xffff;
	_ =	sdelay $0x1  }
0x2b: {  	v1 =	vshll.u32 v2, $0x1;
	_ =	sdelay $0x3  }
.Ltmp5:
0x2c: {  	[tilespmem:s17+$0x19320] =	vst v0;
	s17 =	smov.u32 s18;
	(pc) =	sbr.rel @p0 .LBB2_4-.Ltmp5, $3  }
0x2d: {  	v0 =	vld.idx.msk [tilespmem:v1+s1+$0x0], $0xffff;
	_ =	sdelay $0x1  }
0x2e: {  	v1 =	vor.u32 $0x1, v1  }
0x2f: {  	s18 =	sshra.s32 s19, $0x2;
	s19 =	sadd.s32 $0x40, s19  }
0x30: {  	v2 =	vld [tilespmem:s18+$0x186A0];
	_ =	sdelay $0x2  }
0x31: {  	[tilespmem:s17+$0x18CE0] =	vst v0  }
0x32: {  	v0 =	vld.idx.msk [tilespmem:v1+s1+$0x0], $0xffff  }
0x33: {  	v63 =	vshll.u32 v2, $0x1;
	_ =	sdelay $0x3  }
0x34: {  	[tilespmem:s17+$0x19320] =	vst v0  }
0x35: {  	v0 =	vld.idx.msk [tilespmem:v63+s1+$0x0], $0xffff  }
0x36: {  	v1 =	vor.u32 $0x1, v63;
	_ =	sdelay $0x3  }
0x37: {  	[tilespmem:s18+$0x18CE0] =	vst v0  }
0x38: {  	v0 =	vld.idx.msk [tilespmem:v1+s1+$0x0], $0xffff;
	_ =	sdelay $0x4  }
0x39: {  	s30 =	sadd.s32 s5, s16;
	[tilespmem:s18+$0x19320] =	vst v0  }
0x3a: {  	[hbm4b:s30+s1] =	stream.linear.scatter [tilespmem:s12], [sflag:$0x2], $0x640, $0x38;
	[tilespmem:$0x19960] =	vst v63  }
0x3b: {  	_ =	swait.ge [sflag:s11], $0x640  }
0x3c: {  	[sflag:s11] =	ssyncset.done $0x0  }
.Ltmp6:
0x3d: {  	s31 =	sadd.s32 s6, s16;
	[sflag:s11] =	ssyncadd.s32 $0xFFFFF9C0;
	(pc) =	sbr.rel .LBB2_6-.Ltmp6, $4  }
0x3e: {  	[hbm4b:s31+s1] =	stream.linear.scatter [tilespmem:s13], [sflag:$0x1], $0x640, $0x38;
	[tilespmem:$0x19960] =	vst v63  }
0x3f: {  	_ =	swait.ge [sflag:s9], $0x640  }
0x40: {  	[sflag:s9] =	ssyncset.done $0x0  }
0x41: {  	[sflag:s9] =	ssyncadd.s32 $0xFFFFF9C0  }
.LBB2_8:
0x42: {  	_ =	sfence.sel $0x180000  }
0x43: {  	[bflag:$0x0] =	sbarrier.arrive $0xFFFF  }
0x44: {  	p0 =	sne.s32 s2, $0x0;
	_ =	strace $0x90000047  }
0x45: {  	s0 =	sadd.s32 @!p0 $0x100000, s0;
	[bflag:$0x2] =	sbarrier.arrive $0xFFFF  }
0x46: {  	[sflag:s0] =	ssyncadd.tile.s32 @!p0 $0x1;
	_ =	shalt  }
.Lfunc_end2:
_tile_overlayer_lowered:
.L_overlay_start_2:
0x47: {  	(tag) =	ssettag $0x2  }
0x48: {  	s0 =	rddreg [dreg:$0x0];
	s2 =	stileid.u32  }
0x49: {  	s1 =	rddreg [dreg:$0x1];
	p0 =	sne.s32 s2, $0x0  }
0x4a: {  	s3 =	rddreg [dreg:$0x2];
	[bflag:$0x3] =	sbarrier.arrive $0xFFFF;
	s2 =	simm.s32 @!p0 $0x1C01  }
0x4b: {  	[timem:s3], [sflag:s2] =	dma.local @!p0 [hbm:s0], s1  }
0x4c: {  	s0 =	simm.s32 @!p0 $0x1  }
0x4d: {  	_ =	swait.ge @!p0 [sflag:s0], s1  }
0x4e: {  	s1 =	ssub.s32 @!p0 $0x0, s1;
	[sflag:s0] =	ssyncset.done @!p0 $0x0  }
0x4f: {  	[sflag:s0] =	ssyncadd.s32 @!p0 s1  }
0x50: {  	[bflag:$0x3] =	sbarrier.arrive $0xFFFF  }
0x51: {  	_ =	shalt  }

// kernel: kernel.9.cloned.1.call-start
scs
__scs_entry_jumppad:
0x0: {  	(pc) =	sbr.rel $0x88, $3  }
0x1: {  	(tag) =	ssettag $0x0;
	lr =	simm.s32 $0x1  }
0x2: {  	[smem:$0x3F96] =	sst lr;
	_ =	strace $0xD0000000  }
0x3: {  	_ = 	snop  }
0x4: {  	_ = 	snop  }
0x5: {  	_ = 	snop  }
0x6: {  	_ = 	snop  }
0x7: {  	_ = 	snop  }
__scs_overlays_trampoline_lowered:
0x8: {  	[smem:$0x3FA5] =	sst s0  }
0x9: {  	[smem:$0x3FA6] =	sst s1  }
0xa: {  	[smem:$0x3FA7] =	sst s2  }
0xb: {  	[smem:$0x3FA8] =	sst s3  }
0xc: {  	[smem:$0x3FA9] =	sst s4  }
0xd: {  	[smem:$0x3FAA] =	sst s5  }
0xe: {  	[smem:$0x3FAB] =	sst s6  }
0xf: {  	[smem:$0x3FAC] =	sst s7  }
0x10: {  	[smem:$0x3FAD] =	sst s8  }
0x11: {  	[smem:$0x3FAE] =	sst s9;
	s0 =	simm.s32 @!p0 $0x0  }
0x12: {  	s1 =	sld [smem:$0x3F94];
	s0 =	simm.s32 @p0 $0x1  }
0x13: {  	[smem:$0x3FAF] =	sst s0;
	s0 =	simm.s32 @!p1 $0x0  }
0x14: {  	s2 =	sld [smem:$0x3F93];
	s0 =	simm.s32 @p1 $0x1  }
0x15: {  	[smem:$0x3FB0] =	sst s0;
	s0 =	simm.s32 @!p2 $0x0  }
0x16: {  	s3 =	sld [smem:$0x3FDB];
	s0 =	simm.s32 @p2 $0x1  }
0x17: {  	s4 =	simm.s32 $0x1BF5;
	[smem:$0x3FB2] =	sst s0  }
0x18: {  	s0 =	sld [smem:$0x3F95];
	_ =	swait.ge [sflag:s4], $0x0  }
0x19: {  	s7 =	sld [smem:$0x3F96]  }
0x1a: {  	s8 =	sadd.s32 $0xFFFFE003, lr  }
0x1b: {  	s9 =	sadd.s32 $0xFFFFFEF7, lr;
	s5 =	simm.s32 $0xFFFFFFFF;
	p2 =	slt.u32 s8, $0xFFFFF086  }
0x1c: {  	p1 =	slt.u32 s9, $0xF7A;
	s5 =	simm.s32 @!p2 $0x0  }
0x1d: {  	s5 =	simm.s32 @p1 $0x1;
	p0 =	seq.s32 s7, s2  }
0x1e: {  	s7 =	smul.u32 @!p0 $0xF7A, s2;
	p2 =	seq.s32 @!p0 s5, $0x0  }
0x1f: {  	s9 =	smul.u32 $0xF7A, s1;
	s8 =	simm.s32 @!p0 $0x1BF5;
	p2 =	por !p2, p0  }
0x20: {  	[sflag:s8] =	ssyncset.s32 @!p0 $0xFFFFF086;
	s6 =	sadd.s32 @!p0 s3, s7;
	s7 =	simm.s32 @!p0 $0x108  }
0x21: {  	s3 =	sadd.s32 s3, s9;
	s6 =	sadd.s32 @!p0 $0x88, s6;
	s7 =	simm.s32 @p2 $0x1082  }
0x22: {  	[simem:s7], [sflag:s8] =	dma.local @!p0 [hbm:s6], $0xF7A  }
0x23: {  	s9 =	sor.u32 $0xD0000000, s2;
	s6 =	simm.s32 $0x108;
	_ =	swait.ge @!p0 [sflag:s8], $0x0  }
0x24: {  	s3 =	sadd.s32 $0x88, s3;
	s6 =	simm.s32 @!p1 $0x1082;
	[sflag:s4] =	ssyncset.s32 $0xFFFFF086  }
0x25: {  	[simem:s6], [sflag:s4] =	dma.local [hbm:s3], $0xF7A  }
0x26: {  	[smem:$0x3F96] =	sst s1;
	(tag) =	ssettag s2;
	_ =	strace s9  }
0x27: {  	s1 =	sld [smem:$0x3FA6]  }
0x28: {  	s2 =	sld [smem:$0x3FA7]  }
0x29: {  	s4 =	sld [smem:$0x3FA9]  }
0x2a: {  	p0 =	seq.s32 s5, $0x0;
	s5 =	sld [smem:$0x3FAA]  }
0x2b: {  	s6 =	sld [smem:$0x3FAB]  }
0x2c: {  	s7 =	sld [smem:$0x3FAC]  }
0x2d: {  	s3 =	simm.s32 $0x108;
	s8 =	sld [smem:$0x3FAD]  }
0x2e: {  	s3 =	simm.s32 @!p0 $0x1082;
	s9 =	sld [smem:$0x3FAE]  }
0x2f: {  	lr =	sadd.s32 s0, s3;
	s0 =	sld [smem:$0x3FA5]  }
0x30: {  	s3 =	sld [smem:$0x3FA8]  }
0x31: {  	[smem:$0x3FB1] =	sst s10  }
0x32: {  	s10 =	sld [smem:$0x3FAF];
	_ =	sdelay $0x3  }
0x33: {  	p0 =	seq.s32 s10, $0x1;
	s10 =	sld [smem:$0x3FB1];
	_ =	sdelay $0x3  }
0x34: {  	[smem:$0x3FB1] =	sst s10  }
0x35: {  	s10 =	sld [smem:$0x3FB0];
	_ =	sdelay $0x3  }
0x36: {  	p1 =	seq.s32 s10, $0x1;
	s10 =	sld [smem:$0x3FB1];
	_ =	sdelay $0x3  }
0x37: {  	[smem:$0x3FB1] =	sst s10  }
0x38: {  	s10 =	sld [smem:$0x3FB2]  }
0x39: {  	_ = 	snop;
	(pc) =	sbr.ind lr, $3  }
0x3a: {  	_ = 	snop  }
0x3b: {  	_ = 	snop  }
0x3c: {  	p2 =	seq.s32 s10, $0x1;
	s10 =	sld [smem:$0x3FB1]  }
0x3d: {  	_ =	shalt  }
0x3e: {  	_ =	shalt  }
0x3f: {  	_ =	shalt  }
0x40: {  	_ =	shalt  }
0x41: {  	_ =	shalt  }
0x42: {  	_ =	shalt  }
0x43: {  	_ =	shalt  }
0x44: {  	_ =	shalt  }
0x45: {  	_ =	shalt  }
0x46: {  	_ =	shalt  }
0x47: {  	_ =	shalt  }
0x48: {  	_ =	shalt  }
0x49: {  	_ =	shalt  }
0x4a: {  	_ =	shalt  }
0x4b: {  	_ =	shalt  }
0x4c: {  	_ =	shalt  }
0x4d: {  	_ =	shalt  }
0x4e: {  	_ =	shalt  }
0x4f: {  	_ =	shalt  }
0x50: {  	_ =	shalt  }
0x51: {  	_ =	shalt  }
0x52: {  	_ =	shalt  }
0x53: {  	_ =	shalt  }
0x54: {  	_ =	shalt  }
0x55: {  	_ =	shalt  }
0x56: {  	_ =	shalt  }
0x57: {  	_ =	shalt  }
0x58: {  	_ =	shalt  }
0x59: {  	_ =	shalt  }
0x5a: {  	_ =	shalt  }
0x5b: {  	_ =	shalt  }
0x5c: {  	_ =	shalt  }
0x5d: {  	_ =	shalt  }
0x5e: {  	_ =	shalt  }
0x5f: {  	_ =	shalt  }
0x60: {  	_ =	shalt  }
0x61: {  	_ =	shalt  }
0x62: {  	_ =	shalt  }
0x63: {  	_ =	shalt  }
0x64: {  	_ =	shalt  }
0x65: {  	_ =	shalt  }
0x66: {  	_ =	shalt  }
0x67: {  	_ =	shalt  }
0x68: {  	_ =	shalt  }
0x69: {  	_ =	shalt  }
0x6a: {  	_ =	shalt  }
0x6b: {  	_ =	shalt  }
0x6c: {  	_ =	shalt  }
0x6d: {  	_ =	shalt  }
0x6e: {  	_ =	shalt  }
0x6f: {  	_ =	shalt  }
0x70: {  	_ =	shalt  }
0x71: {  	_ =	shalt  }
0x72: {  	_ =	shalt  }
0x73: {  	_ =	shalt  }
0x74: {  	_ =	shalt  }
0x75: {  	_ =	shalt  }
0x76: {  	_ =	shalt  }
0x77: {  	_ =	shalt  }
0x78: {  	_ =	shalt  }
0x79: {  	_ =	shalt  }
0x7a: {  	_ =	shalt  }
0x7b: {  	_ =	shalt  }
0x7c: {  	_ =	shalt  }
0x7d: {  	_ =	shalt  }
0x7e: {  	_ =	shalt  }
0x7f: {  	_ =	shalt  }
0x80: {  	_ =	shalt  }
0x81: {  	_ =	shalt  }
0x82: {  	_ =	shalt  }
0x83: {  	_ =	shalt  }
0x84: {  	_ =	shalt  }
0x85: {  	_ =	shalt  }
0x86: {  	_ =	shalt  }
0x87: {  	_ =	shalt  }
.Lfunc_end0:
.L_simem_size_0:
called_computation.1_lowered:
.L_overlay_start_0:
0x88: {  	s2 =	sld [smem:$0x3FD9]  }
0x89: {  	s3 =	sld [smem:$0x3FFE];
	_ =	sdelay $0x1  }
0x8a: {  	s1 =	srdreg.scid  }
0x8b: {  	s0 =	sand.u32 $0x1, s1  }
0x8c: {  	s17 =	sshll.u32 s0, $0xA;
	s2 =	sadd.s32 s3, s2  }
0x8d: {  	s2 =	sadd.s32 s2, s17  }
0x8e: {  	[smem:$0x3FBD] =	sst s2  }
0x8f: {  	_ = 	snop  }
0x90: {  	s2 =	sld [smem:$0x3FD0];
	(tm) =	ssettm $0x1  }
0x91: {  	s18 =	sld [smem:$0x3FFB];
	_ =	sdelay $0x3  }
0x92: {  	_ =	strace s18  }
0x93: {  	s3 =	sld [smem:$0x3FFC];
	_ =	sdelay $0x3  }
0x94: {  	_ =	strace s3  }
0x95: {  	s3 =	sld [smem:$0x3FFD];
	_ =	sdelay $0x3  }
0x96: {  	_ =	strace s3  }
0x97: {  	_ =	strace $0x8FFFFFFF  }
0x98: {  	s19 =	sld [smem:$0x3FDB];
	_ =	sdelay $0x1  }
0x99: {  	s4 =	simm.s32 $_scs_section_size  }
0x9a: {  	s5 =	simm.s32 $_size__tile_overlayer_lowered;
	s6 =	simm.s32 $_tile_overlayer_lowered  }
0x9b: {  	s22 =	simm.s32 $0x1BFF;
	s21 =	sshll.u32 s6, $0x1;
	s3 =	sadd.s32 s4, s19  }
0x9c: {  	s7 =	simm.s32 $0x0;
	s20 =	sshll.u32 s5, $0x1;
	s5 =	sadd.s32 s21, s3  }
0x9d: {  	[timem:s7], [sflag:s22] =	dma.local [hbm:s5], s20  }
0x9e: {  	_ =	swait.ge [sflag:s22], s20  }
0x9f: {  	s4 =	ssub.s32 $0x0, s20;
	[sflag:s22] =	ssyncset.done $0x0  }
0xa0: {  	[sflag:s22] =	ssyncadd.s32 s4;
	_ =	sdelay $0x1  }
0xa1: {  	s23 =	simm.s32 $0x1B8B  }
0xa2: {  	_ =	swait.ge [sflag:s23], $0x1  }
0xa3: {  	[sflag:s23] =	ssyncset.done $0x0  }
0xa4: {  	s25 =	simm.s32 $0x1B8E;
	s24 =	sld [smem:$0x3FFE];
	[sflag:s23] =	ssyncadd.s32 $0xFFFFFFFF  }
0xa5: {  	s26 =	simm.s32 $execute0_lowered;
	[smem:$0x3FD2] =	sst s25  }
0xa6: {  	s5 =	sshll.u32 s26, $0x1;
	_ =	strace $0x80000049;
	[dreg:$0x1] =	wrdreg $0xFFFFFFFF  }
0xa7: {  	s28 =	simm.s32 $_size_execute0_lowered;
	s3 =	sadd.s32 s3, s5;
	[dreg:$0x0] =	wrdreg $0x0  }
0xa8: {  	s5 =	sshll.u32 s28, $0x1;
	[dreg:$0x2] =	wrdreg s3  }
0xa9: {  	[dreg:$0x3] =	wrdreg s5  }
0xaa: {  	[dreg:$0x4] =	wrdreg $0xC0  }
0xab: {  	_ =	task [dreg:s7], $0x5FFFF  }
0xac: {  	[dreg:$0x1] =	wrdreg $0xFFFFFFFF  }
0xad: {  	[dreg:$0x0] =	wrdreg $0x60  }
0xae: {  	[dreg:$0x2] =	wrdreg s24  }
0xaf: {  	[dreg:$0x3] =	wrdreg s2  }
0xb0: {  	[dreg:$0x4] =	wrdreg $0x0  }
0xb1: {  	[dreg:$0x5] =	wrdreg $0x187000  }
0xb2: {  	[dreg:$0x6] =	wrdreg $0x9  }
0xb3: {  	_ =	task.clear_ibuf [dreg:s7], $0x7FFFF;
	_ =	strace $0x90000049  }
0xb4: {  	s29 =	simm.s32 $0x9;
	_ =	strace $0x8000004B  }
0xb5: {  	_ =	swait.ge [sflag:s29], $0x1  }
0xb6: {  	[sflag:s29] =	ssyncadd.s32 $0xFFFFFFFF  }
0xb7: {  	_ =	strace $0x9000004B  }
0xb8: {  	_ =	sfence  }
0xb9: {  	s30 =	sld [smem:$0x0];
	_ =	sdelay $0x2  }
0xba: {  	s31 =	sshll.u32 s1, $0xD;
	s1 =	sshrl.u32 s1, $0x2  }
0xbb: {  	s3 =	sand.u32 $0x4000, s31;
	s1 =	sadd.s32 s1, s30  }
0xbc: {  	s0 =	sor.u32 s3, s0;
	s1 =	sshll.u32 s1, $0x11  }
0xbd: {  	s0 =	sor.u32 s1, s0  }
0xbe: {  	s0 =	sadd.s32 $0x8F2B, s0  }
0xbf: {  	[sflag:s0] =	ssyncadd.remote.s32 $0x1  }
0xc0: {  	_ =	sfence.sel $0xFFFF  }
0xc1: {  	[dreg:$0x0] =	wrdreg $0xFFFFFFFF;
	(pc) =	sbr.abs _section_cstart, $3  }
0xc2: {  	[dreg:$0x1] =	wrdreg $0xFFFFFFFF  }
0xc3: {  	_ =	task.clear_ibuf [dreg:s7], $0x2FFFF;
	_ =	strace $0x9FFFFFFF  }
0xc4: {  	(tm) =	ssettm $0x7FFFFFFF  }
0xc5: {  	_ =	shalt  }
tec
execute0_lowered:
.L_overlay_start_1:
0x0: {  	(tag) =	ssettag $0x1  }
0x1: {  	s0 =	rddreg [dreg:$0x0]  }
0x2: {  	s2 =	rddreg [dreg:$0x2]  }
0x3: {  	s3 =	rddreg [dreg:$0x3]  }
0x4: {  	s5 =	simm.s32 $0x0;
	s1 =	srdreg.scid;
	s20 =	stileid.u32  }
0x5: {  	s28 =	simm.s32 $0x3;
	s29 =	simm.s32 $0x1C438;
	s31 =	simm.s32 $0x0  }
0x6: {  	[smem:$0x7FF] =	sst s5;
	s1 =	sand.u32 $0x1, s1;
	s6 =	smul.u32 $0x18700, s20  }
0x7: {  	s7 =	sadd.s32 $0xD61800, s0;
	s9 =	sadd.s32 $0xC9000, s0;
	s11 =	smul.u32 $0xC38, s20  }
0x8: {  	s8 =	sadd.s32 $0xC6000, s0;
	s10 =	sadd.s32 $0xC5E00, s0;
	s16 =	smul.u32 $0x6400, s20  }
0x9: {  	s4 =	smul.u32 $0x187000, s1;
	_ =	strace $0x8000004A;
	[dreg:$0x5] =	wrdreg s8  }
0xa: {  	s21 =	smul.u32 $0xC380, s1;
	[dreg:$0x6] =	wrdreg s10;
	s22 =	sshll.u32 s1, $0x4  }
0xb: {  	s12 =	ssub.s32 $0x2, s1;
	s1 =	smul.u32 $0x64000, s1;
	s10 =	sor.u32 s20, s22  }
0xc: {  	s23 =	sshrl.u32 s12, $0x1;
	s14 =	sadd.s32 $0xC00, s11;
	s4 =	sadd.s32 s6, s4  }
0xd: {  	s8 =	sadd.s32 s11, s21;
	s13 =	smul.u32 $0x6400, s10;
	s12 =	ssub.s32 s12, s23  }
0xe: {  	s24 =	sshll.u32 s14, $0x5;
	s26 =	smul.u32 $0x19000, s10;
	s30 =	sadd.s32 s14, s3  }
0xf: {  	s1 =	sadd.s32 s16, s1;
	s6 =	sadd.s32 s6, s2;
	s4 =	sshrl.u32 s4, $0x3  }
0x10: {  	s8 =	sshrl.u32 s8, $0x3;
	[dreg:$0x8] =	wrdreg s30;
	s30 =	sadd.s32 s11, s3  }
0x11: {  	s4 =	sadd.s32 s4, s0;
	s0 =	sadd.s32 s8, s0;
	s15 =	ssub.s32 $0xC3500, s13  }
0x12: {  	s8 =	sadd.s32 s24, s2;
	s14 =	sshrl.u32 s13, $0x3;
	s24 =	smul.u32 $0x30E0, s20  }
0x13: {  	s17 =	sor.u32 $0x80, s13;
	s18 =	sadd.s32 s7, s26;
	s26 =	smul.u32 $0x61C00, s20  }
0x14: {  	[dreg:$0x7] =	wrdreg s8;
	s25 =	sshrl.u32 s15, $0x7;
	s8 =	sadd.s32 s9, s14  }
0x15: {  	[dreg:$0xa] =	wrdreg s18;
	s19 =	sshrl.u32 s17, $0x3;
	s21 =	sshll.u32 s17, $0x2  }
0x16: {  	s17 =	sor.u32 $0x100, s1;
	s1 =	sor.u32 $0x180, s1;
	s4 =	sadd.s32 $0xE1800, s4  }
0x17: {  	s20 =	sadd.s32 $0x143400, s0;
	s10 =	smin.u32 s25, $0xC8;
	[dreg:$0x9] =	wrdreg s8  }
0x18: {  	s8 =	sadd.s32 s9, s19;
	[dreg:$0xd] =	wrdreg s4;
	s22 =	sshll.u32 s17, $0x2  }
0x19: {  	s23 =	sshll.u32 s1, $0x2;
	s25 =	sshrl.u32 s17, $0x3;
	s1 =	sshrl.u32 s1, $0x3  }
0x1a: {  	s4 =	sshrl.u32 s24, $0x2;
	s24 =	sshrl.u32 s6, $0x3;
	[dreg:$0xb] =	wrdreg s8  }
0x1b: {  	s8 =	sadd.s32 s7, s21;
	s16 =	sadd.s32 s22, s7;
	s18 =	sadd.s32 s25, s9  }
0x1c: {  	s19 =	sadd.s32 s1, s9;
	s21 =	smax.u32 s12, $0x1;
	s22 =	sadd.s32 s4, s3  }
0x1d: {  	s1 =	sshrl.u32 s26, $0x2;
	s25 =	sshrl.u32 s30, $0x3;
	s26 =	simm.s32 $0x1B438  }
0x1e: {  	[dreg:$0xc] =	wrdreg s8;
	s8 =	sadd.s32 s23, s7;
	s23 =	sadd.s32 s1, s2  }
.LBB2_1:
0x1f: {  	s0 =	rddreg [dreg:$0x1]  }
0x20: {  	[tilespmem:s26], [sflag:$0x3] =	stream.linear.gather [hbm4b:s0+s5], $0x1000, $0x38;
	[tilespmem:$0x1C538] =	vst v63  }
0x21: {  	_ =	swait.ge [sflag:s28], $0x1000  }
0x22: {  	[sflag:s28] =	ssyncset.done $0x0  }
0x23: {  	s15 =	rddreg [dreg:$0x5];
	[sflag:s28] =	ssyncadd.s32 $0xFFFFF000  }
0x24: {  	[tilespmem:s29], [sflag:$0x3] =	stream.linear.gather [hbm4b:s15+s5], $0x80, $0x38;
	[tilespmem:$0x1C538] =	vst v63  }
0x25: {  	_ =	swait.ge [sflag:s28], $0x80  }
0x26: {  	[sflag:s28] =	ssyncset.done $0x0  }
0x27: {  	s1 =	simm.s32 $0x1C4B8;
	s17 =	rddreg [dreg:$0x6];
	[sflag:s28] =	ssyncadd.s32 $0xFFFFFF80  }
0x28: {  	[tilespmem:s1], [sflag:$0x3] =	stream.linear.gather [hbm4b:s17+s5], $0x80, $0x38;
	[tilespmem:$0x1C538] =	vst v63  }
0x29: {  	_ =	swait.ge [sflag:s28], $0x80  }
0x2a: {  	[sflag:s28] =	ssyncset.done $0x0  }
0x2b: {  	[sflag:s28] =	ssyncadd.s32 $0xFFFFFF80  }
0x2c: {  	[spmem:s23] =	stream.linear.scatter [tilespmem:s26], [sflag:$0x3], $0x1000, $0x38;
	[tilespmem:$0x1C538] =	vst v63  }
0x2d: {  	_ =	swait.ge [sflag:s28], $0x1000  }
0x2e: {  	[sflag:s28] =	ssyncset.done $0x0  }
0x2f: {  	s30 =	sadd.s32 $0x0, s22;
	[sflag:s28] =	ssyncadd.s32 $0xFFFFF000  }
0x30: {  	[spmem:s30] =	stream.linear.scatter [tilespmem:s29], [sflag:$0x3], $0x80, $0x38;
	[tilespmem:$0x1C538] =	vst v63  }
0x31: {  	_ =	swait.ge [sflag:s28], $0x80  }
0x32: {  	s0 =	simm.s32 $0x200;
	s1 =	smov.u32 s23;
	[sflag:s28] =	ssyncset.done $0x0  }
.LBB2_2:
0x33: {  	p0 =	sne.s32 s0, $0x2E00;
	[sflag:s28] =	ssyncadd.s32 $0xFFFFFF80;
	s1 =	sadd.s32 $0x1000, s1  }
0x34: {  	[spmem:s1] =	stream.linear.scatter [tilespmem:s26], [sflag:$0x3], $0x1000, $0x38;
	[tilespmem:$0x1C538] =	vst v63  }
0x35: {  	s4 =	smov.u32 s0;
	s0 =	sadd.s32 $0x200, s0;
	_ =	swait.ge [sflag:s28], $0x1000  }
.Ltmp0:
0x36: {  	s4 =	sshra.s32 s4, $0x2;
	[sflag:s28] =	ssyncset.done $0x0;
	(pc) =	sbr.rel @p0 .LBB2_2-.Ltmp0, $4  }
0x37: {  	s4 =	sadd.s32 s4, s22;
	[sflag:s28] =	ssyncadd.s32 $0xFFFFF000  }
0x38: {  	[spmem:s4] =	stream.linear.scatter [tilespmem:s29], [sflag:$0x3], $0x80, $0x38;
	[tilespmem:$0x1C538] =	vst v63  }
0x39: {  	_ =	swait.ge [sflag:s28], $0x80  }
0x3a: {  	[sflag:s28] =	ssyncset.done $0x0  }
0x3b: {  	[sflag:s28] =	ssyncadd.s32 $0xFFFFFF80;
	s0 =	rddreg [dreg:$0x7]  }
0x3c: {  	[spmem:s0] =	stream.linear.scatter [tilespmem:s26], [sflag:$0x3], $0x700, $0x38;
	[tilespmem:$0x1C538] =	vst v63  }
0x3d: {  	_ =	swait.ge [sflag:s28], $0x700  }
0x3e: {  	[sflag:s28] =	ssyncset.done $0x0  }
0x3f: {  	s7 =	rddreg [dreg:$0x8];
	[sflag:s28] =	ssyncadd.s32 $0xFFFFF900  }
0x40: {  	[spmem:s7] =	stream.linear.scatter [tilespmem:s29], [sflag:$0x3], $0x38, $0x38;
	[tilespmem:$0x1C538] =	vst v63  }
0x41: {  	_ =	swait.ge [sflag:s28], $0x38  }
0x42: {  	[sflag:s28] =	ssyncset.done $0x0  }
0x43: {  	[sflag:s28] =	ssyncadd.s32 $0xFFFFFFC8  }
0x44: {  	[bflag:$0x0] =	sbarrier.arrive $0xFFFF  }
0x45: {  	s9 =	simm.s32 $0x0;
	s4 =	simm.s32 $0x19338;
	s1 =	rddreg [dreg:$0x9]  }
0x46: {  	[tilespmem:s4], [sflag:$0x1] =	stream.linear.gather [hbm4b:s1+s9], $0x80, $0x38;
	[tilespmem:$0x1C538] =	vst v63  }
0x47: {  	s12 =	simm.s32 $0x19438;
	p1 =	sle.u32 s10, $0x0;
	s11 =	rddreg [dreg:$0xa]  }
0x48: {  	[tilespmem:s12], [sflag:$0x1] =	stream.linear.gather [hbm4b:s11+s9], $0x1000, $0x38;
	[tilespmem:$0x1C538] =	vst v63  }
0x49: {  	s14 =	simm.s32 $0x193B8;
	p0 =	por p1, p1;
	s13 =	rddreg [dreg:$0xb]  }
0x4a: {  	[tilespmem:s14], [sflag:$0x2] =	stream.linear.gather [hbm4b:s13+s9], $0x80, $0x38;
	[tilespmem:$0x1C538] =	vst v63  }
0x4b: {  	s17 =	simm.s32 $0x1A438;
	s0 =	simm.s32 @!p0 $0x1;
	s15 =	rddreg [dreg:$0xc]  }
0x4c: {  	[tilespmem:s17], [sflag:$0x2] =	stream.linear.gather [hbm4b:s15+s9], $0x1000, $0x38;
	[tilespmem:$0x1C538] =	vst v63  }
0x4d: {  	_ =	swait.ge @!p0 [sflag:s0], $0x80  }
0x4e: {  	[sflag:s0] =	ssyncset.done @!p0 $0x0  }
0x4f: {  	[sflag:s0] =	ssyncadd.s32 @!p0 $0xFFFFFF80  }
0x50: {  	_ =	swait.ge @!p0 [sflag:s0], $0x1000  }
0x51: {  	s6 =	simm.s32 @!p0 $0x19338;
	s1 =	simm.s32 @!p0 $0x19438;
	[sflag:s0] =	ssyncset.done @!p0 $0x0  }
0x52: {  	s4 =	simm.s32 @!p0 $0x3;
	[sflag:s0] =	ssyncadd.s32 @!p0 $0xFFFFF000;
	s0 =	simm.s32 @!p0 $0x80  }
0x53: {  	[spmem:s2] =	stream.indirect.scatter.add.f32 @!p0 [tilespmem:s1], [sflag:$0x3], $0x20, s6, s0, $0xb8;
	[tilespmem:$0x1C538] =	vst v63  }
0x54: {  	_ =	swait.ge @!p0 [sflag:s4], $0x1000  }
0x55: {  	[sflag:s4] =	ssyncset.done @!p0 $0x0  }
0x56: {  	p1 =	sle.u32 @!p1 s10, $0x2;
	s1 =	simm.s32 @!p0 $0x1C4B8;
	[sflag:s4] =	ssyncadd.s32 @!p0 $0xFFFFF000  }
0x57: {  	[spmem:s3] =	stream.indirect.scatter.add.f32 @!p0 [tilespmem:s1], [sflag:$0x3], $0x1, s6, s0, $0xb8;
	[tilespmem:$0x1C538] =	vst v63  }
0x58: {  	p1 =	por p1, p1;
	_ =	swait.ge @!p0 [sflag:s4], $0x80  }
0x59: {  	p2 =	por p1, p0;
	[sflag:s4] =	ssyncset.done @!p0 $0x0  }
0x5a: {  	s0 =	simm.s32 @!p2 $0x0;
	s1 =	simm.s32 @!p2 $0x19338;
	[sflag:s4] =	ssyncadd.s32 @!p0 $0xFFFFFF80  }
0x5b: {  	[tilespmem:s1], [sflag:$0x1] =	stream.linear.gather @!p2 [hbm4b:s18+s0], $0x80, $0x38;
	[tilespmem:$0x1C538] =	vst v63  }
0x5c: {  	p1 =	sle.u32 s10, $0x1;
	s1 =	simm.s32 @!p2 $0x19438  }
0x5d: {  	[tilespmem:s1], [sflag:$0x1] =	stream.linear.gather @!p2 [hbm4b:s16+s0], $0x1000, $0x38;
	[tilespmem:$0x1C538] =	vst v63  }
0x5e: {  	s0 =	simm.s32 @!p1 $0x2  }
0x5f: {  	_ =	swait.ge @!p1 [sflag:s0], $0x80  }
0x60: {  	[sflag:s0] =	ssyncset.done @!p1 $0x0  }
0x61: {  	[sflag:s0] =	ssyncadd.s32 @!p1 $0xFFFFFF80  }
0x62: {  	s30 =	sadd.s32 $0x400, s16;
	p3 =	sle.u32 @!p1 s10, $0x3;
	_ =	swait.ge @!p1 [sflag:s0], $0x1000  }
0x63: {  	s9 =	simm.s32 @!p1 $0x193B8;
	s6 =	simm.s32 @!p1 $0x80;
	[sflag:s0] =	ssyncset.done @!p1 $0x0  }
0x64: {  	s1 =	simm.s32 @!p1 $0x1A438;
	[sflag:s0] =	ssyncadd.s32 @!p1 $0xFFFFF000;
	s0 =	simm.s32 @!p1 $0x3  }
0x65: {  	[spmem:s2] =	stream.indirect.scatter.add.f32 @!p1 [tilespmem:s1], [sflag:$0x3], $0x20, s9, s6, $0xb8;
	[tilespmem:$0x1C538] =	vst v63  }
0x66: {  	s7 =	simm.s32 $0x4;
	p4 =	por p3, p1;
	_ =	swait.ge @!p1 [sflag:s0], $0x1000  }
0x67: {  	s11 =	simm.s32 @!p4 $0x0;
	s12 =	simm.s32 @!p4 $0x1A438;
	[sflag:s0] =	ssyncset.done @!p1 $0x0  }
0x68: {  	s17 =	smov.u32 s8;
	s1 =	simm.s32 @!p1 $0x1C4B8;
	[sflag:s0] =	ssyncadd.s32 @!p1 $0xFFFFF000  }
0x69: {  	[spmem:s3] =	stream.indirect.scatter.add.f32 @!p1 [tilespmem:s1], [sflag:$0x3], $0x1, s9, s6, $0xb8;
	[tilespmem:$0x1C538] =	vst v63  }
0x6a: {  	s4 =	simm.s32 $0x2;
	p0 =	sle.u32 s10, $0x2;
	_ =	swait.ge @!p1 [sflag:s0], $0x80  }
0x6b: {  	p2 =	sle.u32 @!p0 s10, $0x4;
	p0 =	por p0, p0;
	[sflag:s0] =	ssyncset.done @!p1 $0x0  }
0x6c: {  	s1 =	simm.s32 @!p4 $0x193B8;
	s6 =	sadd.s32 $0x20, s18;
	[sflag:s0] =	ssyncadd.s32 @!p1 $0xFFFFFF80  }
0x6d: {  	[tilespmem:s1], [sflag:$0x2] =	stream.linear.gather @!p4 [hbm4b:s19+s11], $0x80, $0x38;
	[tilespmem:$0x1C538] =	vst v63  }
0x6e: {  	p1 =	por p2, p2;
	s0 =	sadd.s32 $0x400, s8;
	s1 =	sadd.s32 $0x20, s19  }
.LBB2_4:
0x6f: {  	p3 =	sge.u32 s7, s10;
	s13 =	simm.s32 @!p0 $0x1  }
0x70: {  	s14 =	smov.u32 s7;
	s7 =	sadd.s32 $0x2, s7;
	s9 =	smov.u32 s1  }
0x71: {  	[tilespmem:s12], [sflag:$0x2] =	stream.linear.gather @!p4 [hbm4b:s17+s11], $0x1000, $0x38;
	[tilespmem:$0x1C538] =	vst v63  }
0x72: {  	s11 =	sadd.s32 @!p3 $0x2, s14;
	p2 =	sne.s32 s7, $0xC8;
	_ =	swait.ge @!p0 [sflag:s13], $0x80  }
0x73: {  	s17 =	smov.u32 s0;
	p4 =	sge.u32 @!p3 s11, s10;
	[sflag:s13] =	ssyncset.done @!p0 $0x0  }
0x74: {  	[sflag:s13] =	ssyncadd.s32 @!p0 $0xFFFFFF80  }
0x75: {  	_ =	swait.ge @!p0 [sflag:s13], $0x1000  }
0x76: {  	s12 =	simm.s32 @!p0 $0x3;
	s11 =	simm.s32 @!p0 $0x19438;
	[sflag:s13] =	ssyncset.done @!p0 $0x0  }
0x77: {  	s15 =	simm.s32 @!p0 $0x19338;
	[sflag:s13] =	ssyncadd.s32 @!p0 $0xFFFFF000;
	s13 =	simm.s32 @!p0 $0x80  }
0x78: {  	[spmem:s2] =	stream.indirect.scatter.add.f32 @!p0 [tilespmem:s11], [sflag:$0x3], $0x20, s15, s13, $0xb8;
	[tilespmem:$0x1C538] =	vst v63  }
0x79: {  	_ =	swait.ge @!p0 [sflag:s12], $0x1000  }
0x7a: {  	[sflag:s12] =	ssyncset.done @!p0 $0x0  }
0x7b: {  	s11 =	simm.s32 @!p0 $0x1C4B8;
	[sflag:s12] =	ssyncadd.s32 @!p0 $0xFFFFF000  }
0x7c: {  	[spmem:s3] =	stream.indirect.scatter.add.f32 @!p0 [tilespmem:s11], [sflag:$0x3], $0x1, s15, s13, $0xb8;
	[tilespmem:$0x1C538] =	vst v63  }
0x7d: {  	_ =	swait.ge @!p0 [sflag:s12], $0x80  }
0x7e: {  	p1 =	por p1, p0;
	s11 =	sadd.s32 $0x1, s4;
	[sflag:s12] =	ssyncset.done @!p0 $0x0  }
0x7f: {  	s13 =	simm.s32 @!p1 $0x19338;
	[sflag:s12] =	ssyncadd.s32 @!p0 $0xFFFFFF80;
	s12 =	simm.s32 @!p1 $0x0  }
0x80: {  	[tilespmem:s13], [sflag:$0x1] =	stream.linear.gather @!p1 [hbm4b:s6+s12], $0x80, $0x38;
	[tilespmem:$0x1C538] =	vst v63  }
0x81: {  	p5 =	sge.u32 s11, s10;
	p0 =	por p3, p3;
	s13 =	simm.s32 @!p1 $0x19438  }
0x82: {  	[tilespmem:s13], [sflag:$0x1] =	stream.linear.gather @!p1 [hbm4b:s30+s12], $0x1000, $0x38;
	[tilespmem:$0x1C538] =	vst v63  }
0x83: {  	s11 =	simm.s32 @!p5 $0x2;
	s12 =	sadd.s32 @!p5 $0x3, s4;
	s4 =	smov.u32 s14  }
0x84: {  	p1 =	por p4, p4;
	p3 =	sge.u32 @!p5 s12, s10;
	_ =	swait.ge @!p5 [sflag:s11], $0x80  }
0x85: {  	[sflag:s11] =	ssyncset.done @!p5 $0x0  }
0x86: {  	[sflag:s11] =	ssyncadd.s32 @!p5 $0xFFFFFF80  }
0x87: {  	s12 =	simm.s32 @!p5 $0x1A438;
	_ =	swait.ge @!p5 [sflag:s11], $0x1000  }
0x88: {  	s13 =	simm.s32 @!p5 $0x80;
	s14 =	simm.s32 @!p5 $0x193B8;
	[sflag:s11] =	ssyncset.done @!p5 $0x0  }
0x89: {  	s15 =	simm.s32 @!p5 $0x3;
	[sflag:s11] =	ssyncadd.s32 @!p5 $0xFFFFF000  }
0x8a: {  	[spmem:s2] =	stream.indirect.scatter.add.f32 @!p5 [tilespmem:s12], [sflag:$0x3], $0x20, s14, s13, $0xb8;
	[tilespmem:$0x1C538] =	vst v63  }
0x8b: {  	_ =	swait.ge @!p5 [sflag:s15], $0x1000  }
0x8c: {  	s11 =	simm.s32 @!p5 $0x1C4B8;
	[sflag:s15] =	ssyncset.done @!p5 $0x0  }
0x8d: {  	s1 =	sadd.s32 $0x20, s1;
	s0 =	sadd.s32 $0x400, s0;
	[sflag:s15] =	ssyncadd.s32 @!p5 $0xFFFFF000  }
0x8e: {  	[spmem:s3] =	stream.indirect.scatter.add.f32 @!p5 [tilespmem:s11], [sflag:$0x3], $0x1, s14, s13, $0xb8;
	[tilespmem:$0x1C538] =	vst v63  }
.Ltmp1:
0x8f: {  	_ = 	snop;
	(pc) =	sbr.rel @p2 .LBB2_4-.Ltmp1, $4  }
0x90: {  	s6 =	sadd.s32 $0x20, s6;
	p4 =	por p3, p5;
	_ =	swait.ge @!p5 [sflag:s15], $0x80  }
0x91: {  	s11 =	simm.s32 @!p4 $0x0;
	s13 =	simm.s32 @!p4 $0x193B8;
	[sflag:s15] =	ssyncset.done @!p5 $0x0  }
0x92: {  	s30 =	sadd.s32 $0x400, s30;
	s12 =	simm.s32 @!p4 $0x1A438;
	[sflag:s15] =	ssyncadd.s32 @!p5 $0xFFFFFF80  }
0x93: {  	[tilespmem:s13], [sflag:$0x2] =	stream.linear.gather @!p4 [hbm4b:s9+s11], $0x80, $0x38;
	[tilespmem:$0x1C538] =	vst v63  }
0x94: {  	s7 =	simm.s32 @!p0 $0x1  }
0x95: {  	[tilespmem:s12], [sflag:$0x2] =	stream.linear.gather @!p4 [hbm4b:s17+s11], $0x1000, $0x38;
	[tilespmem:$0x1C538] =	vst v63  }
0x96: {  	_ =	swait.ge @!p0 [sflag:s7], $0x80  }
0x97: {  	[sflag:s7] =	ssyncset.done @!p0 $0x0  }
0x98: {  	[sflag:s7] =	ssyncadd.s32 @!p0 $0xFFFFFF80  }
0x99: {  	_ =	swait.ge @!p0 [sflag:s7], $0x1000  }
0x9a: {  	s9 =	simm.s32 @!p0 $0x19438;
	s11 =	simm.s32 @!p0 $0x3;
	[sflag:s7] =	ssyncset.done @!p0 $0x0  }
0x9b: {  	s12 =	simm.s32 @!p0 $0x19338;
	[sflag:s7] =	ssyncadd.s32 @!p0 $0xFFFFF000;
	s7 =	simm.s32 @!p0 $0x80  }
0x9c: {  	[spmem:s2] =	stream.indirect.scatter.add.f32 @!p0 [tilespmem:s9], [sflag:$0x3], $0x20, s12, s7, $0xb8;
	[tilespmem:$0x1C538] =	vst v63  }
0x9d: {  	_ =	swait.ge @!p0 [sflag:s11], $0x1000  }
0x9e: {  	[sflag:s11] =	ssyncset.done @!p0 $0x0  }
0x9f: {  	s9 =	simm.s32 @!p0 $0x1C4B8;
	[sflag:s11] =	ssyncadd.s32 @!p0 $0xFFFFF000  }
0xa0: {  	[spmem:s3] =	stream.indirect.scatter.add.f32 @!p0 [tilespmem:s9], [sflag:$0x3], $0x1, s12, s7, $0xb8;
	[tilespmem:$0x1C538] =	vst v63  }
0xa1: {  	_ =	swait.ge @!p0 [sflag:s11], $0x80  }
0xa2: {  	p1 =	por p1, p0;
	s15 =	sadd.s32 $0x1, s4;
	[sflag:s11] =	ssyncset.done @!p0 $0x0  }
0xa3: {  	s9 =	simm.s32 @!p1 $0x0;
	[sflag:s11] =	ssyncadd.s32 @!p0 $0xFFFFFF80;
	s11 =	simm.s32 @!p1 $0x19338  }
0xa4: {  	[tilespmem:s11], [sflag:$0x1] =	stream.linear.gather @!p1 [hbm4b:s6+s9], $0x80, $0x38;
	[tilespmem:$0x1C538] =	vst v63  }
0xa5: {  	p0 =	sge.u32 s15, s10;
	s6 =	simm.s32 @!p1 $0x19438  }
0xa6: {  	[tilespmem:s6], [sflag:$0x1] =	stream.linear.gather @!p1 [hbm4b:s30+s9], $0x1000, $0x38;
	[tilespmem:$0x1C538] =	vst v63  }
0xa7: {  	s6 =	simm.s32 @!p0 $0x2  }
0xa8: {  	_ =	swait.ge @!p0 [sflag:s6], $0x80  }
0xa9: {  	[sflag:s6] =	ssyncset.done @!p0 $0x0  }
0xaa: {  	[sflag:s6] =	ssyncadd.s32 @!p0 $0xFFFFFF80  }
0xab: {  	_ =	swait.ge @!p0 [sflag:s6], $0x1000  }
0xac: {  	s7 =	simm.s32 @!p0 $0x1A438;
	s11 =	simm.s32 @!p0 $0x193B8;
	[sflag:s6] =	ssyncset.done @!p0 $0x0  }
0xad: {  	s9 =	simm.s32 @!p0 $0x80;
	[sflag:s6] =	ssyncadd.s32 @!p0 $0xFFFFF000;
	s6 =	simm.s32 @!p0 $0x3  }
0xae: {  	[spmem:s2] =	stream.indirect.scatter.add.f32 @!p0 [tilespmem:s7], [sflag:$0x3], $0x20, s11, s9, $0xb8;
	[tilespmem:$0x1C538] =	vst v63  }
0xaf: {  	_ =	swait.ge @!p0 [sflag:s6], $0x1000  }
0xb0: {  	[sflag:s6] =	ssyncset.done @!p0 $0x0  }
0xb1: {  	s4 =	sadd.s32 @!p0 $0x3, s4;
	s7 =	simm.s32 @!p0 $0x1C4B8;
	[sflag:s6] =	ssyncadd.s32 @!p0 $0xFFFFF000  }
0xb2: {  	[spmem:s3] =	stream.indirect.scatter.add.f32 @!p0 [tilespmem:s7], [sflag:$0x3], $0x1, s11, s9, $0xb8;
	[tilespmem:$0x1C538] =	vst v63  }
0xb3: {  	p1 =	sge.u32 @!p0 s4, s10;
	_ =	swait.ge @!p0 [sflag:s6], $0x80  }
0xb4: {  	p1 =	por p1, p0;
	[sflag:s6] =	ssyncset.done @!p0 $0x0  }
0xb5: {  	s4 =	simm.s32 @!p1 $0x0;
	s7 =	simm.s32 @!p1 $0x193B8;
	[sflag:s6] =	ssyncadd.s32 @!p0 $0xFFFFFF80  }
0xb6: {  	[tilespmem:s7], [sflag:$0x2] =	stream.linear.gather @!p1 [hbm4b:s1+s4], $0x80, $0x38;
	[tilespmem:$0x1C538] =	vst v63  }
0xb7: {  	s17 =	stileid.u32;
	s1 =	simm.s32 @!p1 $0x1A438  }
0xb8: {  	[tilespmem:s1], [sflag:$0x2] =	stream.linear.gather @!p1 [hbm4b:s0+s4], $0x1000, $0x38;
	[tilespmem:$0x1C538] =	vst v63  }
0xb9: {  	s0 =	sshll.u32 s17, $0x6;
	[bflag:$0x0] =	sbarrier.arrive $0xFFFF  }
0xba: {  	s0 =	sor.u32 $0x1C03, s0;
	s30 =	rddreg [dreg:$0xd]  }
0xbb: {  	[hbm:s30], [sflag:s0] =	dma.local [spmem:s24], $0x30E0  }
0xbc: {  	s31 =	sadd.s32 $0x1, s31;
	_ =	swait.ge [sflag:s28], $0x30E0  }
0xbd: {  	p0 =	sne.s32 s31, s21;
	[sflag:s28] =	ssyncset.done $0x0  }
.Ltmp2:
0xbe: {  	[sflag:s28] =	ssyncadd.s32 $0xFFFFCF20;
	(pc) =	sbr.rel @p0 .LBB2_1-.Ltmp2, $4  }
0xbf: {  	[hbm:s20], [sflag:s0] =	dma.local [spmem:s25], $0x187  }
0xc0: {  	_ =	swait.ge [sflag:s28], $0x187  }
0xc1: {  	[sflag:s28] =	ssyncset.done $0x0  }
0xc2: {  	[sflag:s28] =	ssyncadd.s32 $0xFFFFFE79  }
0xc3: {  	_ =	sfence.sel $0x180000  }
0xc4: {  	[bflag:$0x0] =	sbarrier.arrive $0xFFFF  }
0xc5: {  	_ =	strace $0x9000004A  }
0xc6: {  	s0 =	stileid.u32;
	[bflag:$0x2] =	sbarrier.arrive $0xFFFF  }
0xc7: {  	p0 =	sne.s32 s0, $0x0;
	s0 =	rddreg [dreg:$0x4]  }
0xc8: {  	s0 =	sadd.s32 @!p0 $0x100000, s0  }
0xc9: {  	[sflag:s0] =	ssyncadd.tile.s32 @!p0 $0x1;
	_ =	shalt  }
.Lfunc_end2:
_tile_overlayer_lowered:
.L_overlay_start_2:
0xca: {  	(tag) =	ssettag $0x2  }
0xcb: {  	s0 =	rddreg [dreg:$0x0];
	s2 =	stileid.u32  }
0xcc: {  	s1 =	rddreg [dreg:$0x1];
	p0 =	sne.s32 s2, $0x0  }
0xcd: {  	s3 =	rddreg [dreg:$0x2];
	[bflag:$0x3] =	sbarrier.arrive $0xFFFF;
	s2 =	simm.s32 @!p0 $0x1C03  }
0xce: {  	[timem:s3], [sflag:s2] =	dma.local @!p0 [hbm:s0], s1  }
0xcf: {  	s0 =	simm.s32 @!p0 $0x3  }
0xd0: {  	_ =	swait.ge @!p0 [sflag:s0], s1  }
0xd1: {  	s1 =	ssub.s32 @!p0 $0x0, s1;
	[sflag:s0] =	ssyncset.done @!p0 $0x0  }
0xd2: {  	[sflag:s0] =	ssyncadd.s32 @!p0 s1  }
0xd3: {  	[bflag:$0x3] =	sbarrier.arrive $0xFFFF  }
0xd4: {  	_ =	shalt  }

</sc_bundles>
